<compile_context>
chip_gen: v7x
topology: tpu7x:2x2x1
jax: 0.10.2.dev20260603
libtpu: 0.0.44.dev20260713+nightly
codegen_flags: <defaults>
</compile_context>

<pallas_src>
import functools

import jax
import jax.numpy as jnp
from jax import lax
from jax.experimental import pallas as pl
from jax.experimental.pallas import tpu as pltpu
from jax.experimental.pallas import tpu_sc as plsc

D_MODEL = 1024
BATCH = 4096
_NC, _NS = 2, 16
_NW = _NC * _NS
_BPW = BATCH // _NW
_CH = 16
_NCH = _BPW // _CH
_NB = 7

_mesh = plsc.VectorSubcoreMesh(core_axis_name="c", subcore_axis_name="s")


@functools.partial(
    pl.kernel,
    mesh=_mesh,
    out_type=jax.ShapeDtypeStruct((BATCH, D_MODEL), jnp.float32),
    scratch_types=[
        pltpu.VMEM((_BPW,), jnp.int32),
        pltpu.VMEM((_NB, _CH, D_MODEL), jnp.float32),
    ]
    + [pltpu.SemaphoreType.DMA] * _NB
    + [pltpu.SemaphoreType.DMA] * _NB,
)
def _gather_kernel(t_hbm, pe_hbm, out_hbm, idx_v, rows_v, *sems):
    gsem = sems[:_NB]
    ssem = sems[_NB:]
    wid = lax.axis_index("s") * _NC + lax.axis_index("c")
    base = wid * _BPW
    pltpu.sync_copy(t_hbm.at[pl.ds(base, _BPW)], idx_v)

    def start_gather(c):
        b = c % _NB
        return pltpu.async_copy(
            pe_hbm.at[idx_v.at[pl.ds(c * _CH, _CH)]], rows_v.at[b], gsem[b])

    gathers = [None] * _NCH
    scatters = [None] * _NCH
    for c in range(min(_NB, _NCH)):
        gathers[c] = start_gather(c)

    for c in range(_NCH):
        if c >= 1 and c - 1 + _NB < _NCH:
            scatters[c - 1].wait()
            gathers[c - 1 + _NB] = start_gather(c - 1 + _NB)
        b = c % _NB
        gathers[c].wait()
        scatters[c] = pltpu.async_copy(
            rows_v.at[b], out_hbm.at[pl.ds(base + c * _CH, _CH)], ssem[b])

    for c in range(_NCH):
        if c + _NB >= _NCH:
            scatters[c].wait()


def kernel(t, pe):
    return _gather_kernel(t, pe)

# --- scband reference (transcript-rebuilt; emitter-appended) ---
"""Pipeline reference for scband-sinusoidal-positional-embedding-70918499991764 (READ-ONLY COPY).

The authoritative reference and input builder live on the scoring server;
editing this copy changes nothing except your own understanding.
"""

import jax, jax.numpy as jnp
import numpy as np
import math

D_MODEL = 1024
MAX_LEN = 8192
BATCH = 4096

def _get_sinusoidal_encoding(max_len, d_model):
    position = jnp.arange(0, max_len, dtype=jnp.float32)[:, None]
    div_term = jnp.exp(jnp.arange(0, d_model, 2, dtype=jnp.float32) * -(math.log(10000.0) / d_model))
    pe = jnp.zeros((max_len, d_model), dtype=jnp.float32)
    pe = pe.at[:, 0::2].set(jnp.sin(position * div_term))
    pe = pe.at[:, 1::2].set(jnp.cos(position * div_term))
    return pe

def setup_inputs(seed: int = 0) -> dict:
    key = jax.random.key(seed)
    t = jax.random.randint(key, (BATCH,), 0, MAX_LEN, dtype=jnp.int64 if jax.config.jax_enable_x64 else jnp.int32)
    pe = _get_sinusoidal_encoding(MAX_LEN, D_MODEL)
    return {"t": t, "pe": pe}

def reference(t, pe):
    # forward: pe[t]  -> gather rows of the sinusoidal table
    return jnp.take(pe, t, axis=0)

if __name__ == "__main__":
    import jax
    _d = setup_inputs()
    print(jax.jit(kernel)(*tuple(_d.values())))

</pallas_src>

<mosaic_0001>
#map = affine_map<(d0, d1) -> (0)>
#map1 = affine_map<(d0, d1) -> (0, 0)>
module attributes {stable_mosaic.version = 14 : i64} {
  func.func @_gather_kernel(%arg0: i32, %arg1: i32, %arg2: memref<4096xi32, #tpu.memory_space<hbm>>, %arg3: memref<8192x1024xf32, #tpu.memory_space<hbm>>, %arg4: memref<4096x1024xf32, #tpu.memory_space<hbm>>, %arg5: memref<128xi32, #tpu.memory_space<vmem>>, %arg6: memref<7x16x1024xf32, #tpu.memory_space<vmem>>, %arg7: memref<!tpu.dma_semaphore, #tpu.memory_space<semaphore_mem>>, %arg8: memref<!tpu.dma_semaphore, #tpu.memory_space<semaphore_mem>>, %arg9: memref<!tpu.dma_semaphore, #tpu.memory_space<semaphore_mem>>, %arg10: memref<!tpu.dma_semaphore, #tpu.memory_space<semaphore_mem>>, %arg11: memref<!tpu.dma_semaphore, #tpu.memory_space<semaphore_mem>>, %arg12: memref<!tpu.dma_semaphore, #tpu.memory_space<semaphore_mem>>, %arg13: memref<!tpu.dma_semaphore, #tpu.memory_space<semaphore_mem>>, %arg14: memref<!tpu.dma_semaphore, #tpu.memory_space<semaphore_mem>>, %arg15: memref<!tpu.dma_semaphore, #tpu.memory_space<semaphore_mem>>, %arg16: memref<!tpu.dma_semaphore, #tpu.memory_space<semaphore_mem>>, %arg17: memref<!tpu.dma_semaphore, #tpu.memory_space<semaphore_mem>>, %arg18: memref<!tpu.dma_semaphore, #tpu.memory_space<semaphore_mem>>, %arg19: memref<!tpu.dma_semaphore, #tpu.memory_space<semaphore_mem>>, %arg20: memref<!tpu.dma_semaphore, #tpu.memory_space<semaphore_mem>>) attributes {dimension_semantics = [#tpu.dimension_semantics<core_parallel>, #tpu.dimension_semantics<subcore_parallel>], iteration_bounds = array<i64: 2, 16>, scalar_prefetch = 0 : i64, scratch_operands = 16 : i64, tpu.core_type = #tpu.core_type<sc_vector_subcore>, window_params = [{transform_indices = #map}, {transform_indices = #map1}, {transform_indices = #map1}]} {
    %mul3A = arith.constant 2 : i32
    %mul3A_0 = arith.muli %arg1, %mul3A : i32
    %add3A = arith.addi %mul3A_0, %arg0 : i32
    %mul3A_1 = arith.constant 128 : i32
    %mul3A_2 = arith.muli %add3A, %mul3A_1 : i32
    "tpu.region"() ({
      %run_scoped3A = tpu.sem_alloc : memref<!tpu.dma_semaphore, #tpu.memory_space<semaphore_mem>>
      %dma_start3A_385 = tpu.memref_slice %arg2[%mul3A_2] : memref<4096xi32, #tpu.memory_space<hbm>> -> memref<128xi32, #tpu.memory_space<hbm>>
      %dma_start3A_386 = tpu.memref_slice %arg2[%mul3A_2] : memref<4096xi32, #tpu.memory_space<hbm>> -> memref<128xi32, #tpu.memory_space<hbm>>
      tpu.enqueue_dma source(%dma_start3A_386 : memref<128xi32, #tpu.memory_space<hbm>>) target(%arg5 : memref<128xi32, #tpu.memory_space<vmem>>) target_semaphore(%run_scoped3A : memref<!tpu.dma_semaphore, #tpu.memory_space<semaphore_mem>>)
      %dma_wait3A_387 = tpu.memref_slice %arg2[%mul3A_2] : memref<4096xi32, #tpu.memory_space<hbm>> -> memref<128xi32, #tpu.memory_space<hbm>>
      %dma_wait3A_388 = tpu.memref_slice %arg2[%mul3A_2] : memref<4096xi32, #tpu.memory_space<hbm>> -> memref<128xi32, #tpu.memory_space<hbm>>
      tpu.wait_dma2 semaphore(%run_scoped3A : memref<!tpu.dma_semaphore, #tpu.memory_space<semaphore_mem>>) src(%dma_wait3A_388 : memref<128xi32, #tpu.memory_space<hbm>>) dst(%arg5 : memref<128xi32, #tpu.memory_space<vmem>>)
      tpu.yield
    }) : () -> ()
    %dma_start3A = arith.constant 0 : i32
    %dma_start3A_3 = arith.constant 0 : i32
    %dma_start3A_4 = arith.constant 0 : i32
    %dma_start3A_5 = tpu.memref_slice %arg6[%dma_start3A, %dma_start3A_3, %dma_start3A_4] : memref<7x16x1024xf32, #tpu.memory_space<vmem>> -> memref<1x16x1024xf32, #tpu.memory_space<vmem>>
    %dma_start3A_6 = tpu.memref_squeeze %dma_start3A_5 : memref<1x16x1024xf32, #tpu.memory_space<vmem>> -> memref<16x1024xf32, #tpu.memory_space<vmem>>
    %dma_start3A_7 = arith.constant 0 : i32
    %dma_start3A_8 = tpu.memref_slice %arg5[%dma_start3A_7] : memref<128xi32, #tpu.memory_space<vmem>> -> memref<16xi32, #tpu.memory_space<vmem>>
    %dma_start3A_9 = arith.constant 0 : i32
    %dma_start3A_10 = arith.constant 0 : i32
    %dma_start3A_11 = tpu.memref_slice %arg3[%dma_start3A_9, %dma_start3A_10] : memref<8192x1024xf32, #tpu.memory_space<hbm>> -> memref<8192x1024xf32, #tpu.memory_space<hbm>>
    tpu.enqueue_indirect_dma source(%dma_start3A_11 : memref<8192x1024xf32, #tpu.memory_space<hbm>>) target(%dma_start3A_6 : memref<16x1024xf32, #tpu.memory_space<vmem>>) offsets(%dma_start3A_8 : memref<16xi32, #tpu.memory_space<vmem>>) semaphore(%arg7 : memref<!tpu.dma_semaphore, #tpu.memory_space<semaphore_mem>>)
    %dma_start3A_12 = arith.constant 1 : i32
    %dma_start3A_13 = arith.constant 0 : i32
    %dma_start3A_14 = arith.constant 0 : i32
    %dma_start3A_15 = tpu.memref_slice %arg6[%dma_start3A_12, %dma_start3A_13, %dma_start3A_14] : memref<7x16x1024xf32, #tpu.memory_space<vmem>> -> memref<1x16x1024xf32, #tpu.memory_space<vmem>>
    %dma_start3A_16 = tpu.memref_squeeze %dma_start3A_15 : memref<1x16x1024xf32, #tpu.memory_space<vmem>> -> memref<16x1024xf32, #tpu.memory_space<vmem>>
    %dma_start3A_17 = arith.constant 16 : i32
    %dma_start3A_18 = tpu.memref_slice %arg5[%dma_start3A_17] : memref<128xi32, #tpu.memory_space<vmem>> -> memref<16xi32, #tpu.memory_space<vmem>>
    %dma_start3A_19 = arith.constant 0 : i32
    %dma_start3A_20 = arith.constant 0 : i32
    %dma_start3A_21 = tpu.memref_slice %arg3[%dma_start3A_19, %dma_start3A_20] : memref<8192x1024xf32, #tpu.memory_space<hbm>> -> memref<8192x1024xf32, #tpu.memory_space<hbm>>
    tpu.enqueue_indirect_dma source(%dma_start3A_21 : memref<8192x1024xf32, #tpu.memory_space<hbm>>) target(%dma_start3A_16 : memref<16x1024xf32, #tpu.memory_space<vmem>>) offsets(%dma_start3A_18 : memref<16xi32, #tpu.memory_space<vmem>>) semaphore(%arg8 : memref<!tpu.dma_semaphore, #tpu.memory_space<semaphore_mem>>)
    %dma_start3A_22 = arith.constant 2 : i32
    %dma_start3A_23 = arith.constant 0 : i32
    %dma_start3A_24 = arith.constant 0 : i32
    %dma_start3A_25 = tpu.memref_slice %arg6[%dma_start3A_22, %dma_start3A_23, %dma_start3A_24] : memref<7x16x1024xf32, #tpu.memory_space<vmem>> -> memref<1x16x1024xf32, #tpu.memory_space<vmem>>
    %dma_start3A_26 = tpu.memref_squeeze %dma_start3A_25 : memref<1x16x1024xf32, #tpu.memory_space<vmem>> -> memref<16x1024xf32, #tpu.memory_space<vmem>>
    %dma_start3A_27 = arith.constant 32 : i32
    %dma_start3A_28 = tpu.memref_slice %arg5[%dma_start3A_27] : memref<128xi32, #tpu.memory_space<vmem>> -> memref<16xi32, #tpu.memory_space<vmem>>
    %dma_start3A_29 = arith.constant 0 : i32
    %dma_start3A_30 = arith.constant 0 : i32
    %dma_start3A_31 = tpu.memref_slice %arg3[%dma_start3A_29, %dma_start3A_30] : memref<8192x1024xf32, #tpu.memory_space<hbm>> -> memref<8192x1024xf32, #tpu.memory_space<hbm>>
    tpu.enqueue_indirect_dma source(%dma_start3A_31 : memref<8192x1024xf32, #tpu.memory_space<hbm>>) target(%dma_start3A_26 : memref<16x1024xf32, #tpu.memory_space<vmem>>) offsets(%dma_start3A_28 : memref<16xi32, #tpu.memory_space<vmem>>) semaphore(%arg9 : memref<!tpu.dma_semaphore, #tpu.memory_space<semaphore_mem>>)
    %dma_start3A_32 = arith.constant 3 : i32
    %dma_start3A_33 = arith.constant 0 : i32
    %dma_start3A_34 = arith.constant 0 : i32
    %dma_start3A_35 = tpu.memref_slice %arg6[%dma_start3A_32, %dma_start3A_33, %dma_start3A_34] : memref<7x16x1024xf32, #tpu.memory_space<vmem>> -> memref<1x16x1024xf32, #tpu.memory_space<vmem>>
    %dma_start3A_36 = tpu.memref_squeeze %dma_start3A_35 : memref<1x16x1024xf32, #tpu.memory_space<vmem>> -> memref<16x1024xf32, #tpu.memory_space<vmem>>
    %dma_start3A_37 = arith.constant 48 : i32
    %dma_start3A_38 = tpu.memref_slice %arg5[%dma_start3A_37] : memref<128xi32, #tpu.memory_space<vmem>> -> memref<16xi32, #tpu.memory_space<vmem>>
    %dma_start3A_39 = arith.constant 0 : i32
    %dma_start3A_40 = arith.constant 0 : i32
    %dma_start3A_41 = tpu.memref_slice %arg3[%dma_start3A_39, %dma_start3A_40] : memref<8192x1024xf32, #tpu.memory_space<hbm>> -> memref<8192x1024xf32, #tpu.memory_space<hbm>>
    tpu.enqueue_indirect_dma source(%dma_start3A_41 : memref<8192x1024xf32, #tpu.memory_space<hbm>>) target(%dma_start3A_36 : memref<16x1024xf32, #tpu.memory_space<vmem>>) offsets(%dma_start3A_38 : memref<16xi32, #tpu.memory_space<vmem>>) semaphore(%arg10 : memref<!tpu.dma_semaphore, #tpu.memory_space<semaphore_mem>>)
    %dma_start3A_42 = arith.constant 4 : i32
    %dma_start3A_43 = arith.constant 0 : i32
    %dma_start3A_44 = arith.constant 0 : i32
    %dma_start3A_45 = tpu.memref_slice %arg6[%dma_start3A_42, %dma_start3A_43, %dma_start3A_44] : memref<7x16x1024xf32, #tpu.memory_space<vmem>> -> memref<1x16x1024xf32, #tpu.memory_space<vmem>>
    %dma_start3A_46 = tpu.memref_squeeze %dma_start3A_45 : memref<1x16x1024xf32, #tpu.memory_space<vmem>> -> memref<16x1024xf32, #tpu.memory_space<vmem>>
    %dma_start3A_47 = arith.constant 64 : i32
    %dma_start3A_48 = tpu.memref_slice %arg5[%dma_start3A_47] : memref<128xi32, #tpu.memory_space<vmem>> -> memref<16xi32, #tpu.memory_space<vmem>>
    %dma_start3A_49 = arith.constant 0 : i32
    %dma_start3A_50 = arith.constant 0 : i32
    %dma_start3A_51 = tpu.memref_slice %arg3[%dma_start3A_49, %dma_start3A_50] : memref<8192x1024xf32, #tpu.memory_space<hbm>> -> memref<8192x1024xf32, #tpu.memory_space<hbm>>
    tpu.enqueue_indirect_dma source(%dma_start3A_51 : memref<8192x1024xf32, #tpu.memory_space<hbm>>) target(%dma_start3A_46 : memref<16x1024xf32, #tpu.memory_space<vmem>>) offsets(%dma_start3A_48 : memref<16xi32, #tpu.memory_space<vmem>>) semaphore(%arg11 : memref<!tpu.dma_semaphore, #tpu.memory_space<semaphore_mem>>)
    %dma_start3A_52 = arith.constant 5 : i32
    %dma_start3A_53 = arith.constant 0 : i32
    %dma_start3A_54 = arith.constant 0 : i32
    %dma_start3A_55 = tpu.memref_slice %arg6[%dma_start3A_52, %dma_start3A_53, %dma_start3A_54] : memref<7x16x1024xf32, #tpu.memory_space<vmem>> -> memref<1x16x1024xf32, #tpu.memory_space<vmem>>
    %dma_start3A_56 = tpu.memref_squeeze %dma_start3A_55 : memref<1x16x1024xf32, #tpu.memory_space<vmem>> -> memref<16x1024xf32, #tpu.memory_space<vmem>>
    %dma_start3A_57 = arith.constant 80 : i32
    %dma_start3A_58 = tpu.memref_slice %arg5[%dma_start3A_57] : memref<128xi32, #tpu.memory_space<vmem>> -> memref<16xi32, #tpu.memory_space<vmem>>
    %dma_start3A_59 = arith.constant 0 : i32
    %dma_start3A_60 = arith.constant 0 : i32
    %dma_start3A_61 = tpu.memref_slice %arg3[%dma_start3A_59, %dma_start3A_60] : memref<8192x1024xf32, #tpu.memory_space<hbm>> -> memref<8192x1024xf32, #tpu.memory_space<hbm>>
    tpu.enqueue_indirect_dma source(%dma_start3A_61 : memref<8192x1024xf32, #tpu.memory_space<hbm>>) target(%dma_start3A_56 : memref<16x1024xf32, #tpu.memory_space<vmem>>) offsets(%dma_start3A_58 : memref<16xi32, #tpu.memory_space<vmem>>) semaphore(%arg12 : memref<!tpu.dma_semaphore, #tpu.memory_space<semaphore_mem>>)
    %dma_start3A_62 = arith.constant 6 : i32
    %dma_start3A_63 = arith.constant 0 : i32
    %dma_start3A_64 = arith.constant 0 : i32
    %dma_start3A_65 = tpu.memref_slice %arg6[%dma_start3A_62, %dma_start3A_63, %dma_start3A_64] : memref<7x16x1024xf32, #tpu.memory_space<vmem>> -> memref<1x16x1024xf32, #tpu.memory_space<vmem>>
    %dma_start3A_66 = tpu.memref_squeeze %dma_start3A_65 : memref<1x16x1024xf32, #tpu.memory_space<vmem>> -> memref<16x1024xf32, #tpu.memory_space<vmem>>
    %dma_start3A_67 = arith.constant 96 : i32
    %dma_start3A_68 = tpu.memref_slice %arg5[%dma_start3A_67] : memref<128xi32, #tpu.memory_space<vmem>> -> memref<16xi32, #tpu.memory_space<vmem>>
    %dma_start3A_69 = arith.constant 0 : i32
    %dma_start3A_70 = arith.constant 0 : i32
    %dma_start3A_71 = tpu.memref_slice %arg3[%dma_start3A_69, %dma_start3A_70] : memref<8192x1024xf32, #tpu.memory_space<hbm>> -> memref<8192x1024xf32, #tpu.memory_space<hbm>>
    tpu.enqueue_indirect_dma source(%dma_start3A_71 : memref<8192x1024xf32, #tpu.memory_space<hbm>>) target(%dma_start3A_66 : memref<16x1024xf32, #tpu.memory_space<vmem>>) offsets(%dma_start3A_68 : memref<16xi32, #tpu.memory_space<vmem>>) semaphore(%arg13 : memref<!tpu.dma_semaphore, #tpu.memory_space<semaphore_mem>>)
    %dma_wait3A = arith.constant 0 : i32
    %dma_wait3A_72 = arith.constant 0 : i32
    %dma_wait3A_73 = arith.constant 0 : i32
    %dma_wait3A_74 = tpu.memref_slice %arg6[%dma_wait3A, %dma_wait3A_72, %dma_wait3A_73] : memref<7x16x1024xf32, #tpu.memory_space<vmem>> -> memref<1x16x1024xf32, #tpu.memory_space<vmem>>
    %dma_wait3A_75 = tpu.memref_squeeze %dma_wait3A_74 : memref<1x16x1024xf32, #tpu.memory_space<vmem>> -> memref<16x1024xf32, #tpu.memory_space<vmem>>
    %dma_wait3A_76 = arith.constant 0 : i32
    %dma_wait3A_77 = tpu.memref_slice %arg5[%dma_wait3A_76] : memref<128xi32, #tpu.memory_space<vmem>> -> memref<16xi32, #tpu.memory_space<vmem>>
    %dma_wait3A_78 = arith.constant 0 : i32
    %dma_wait3A_79 = arith.constant 0 : i32
    %dma_wait3A_80 = tpu.memref_slice %arg3[%dma_wait3A_78, %dma_wait3A_79] : memref<8192x1024xf32, #tpu.memory_space<hbm>> -> memref<8192x1024xf32, #tpu.memory_space<hbm>>
    tpu.wait_indirect_dma semaphore(%arg7 : memref<!tpu.dma_semaphore, #tpu.memory_space<semaphore_mem>>) src(%dma_wait3A_80 : memref<8192x1024xf32, #tpu.memory_space<hbm>>) dst(%dma_wait3A_75 : memref<16x1024xf32, #tpu.memory_space<vmem>>)
    %add3A_81 = arith.constant 0 : i32
    %add3A_82 = arith.addi %mul3A_2, %add3A_81 : i32
    %dma_start3A_83 = arith.constant 0 : i32
    %dma_start3A_84 = arith.constant 0 : i32
    %dma_start3A_85 = arith.constant 0 : i32
    %dma_start3A_86 = tpu.memref_slice %arg6[%dma_start3A_83, %dma_start3A_84, %dma_start3A_85] : memref<7x16x1024xf32, #tpu.memory_space<vmem>> -> memref<1x16x1024xf32, #tpu.memory_space<vmem>>
    %dma_start3A_87 = tpu.memref_squeeze %dma_start3A_86 : memref<1x16x1024xf32, #tpu.memory_space<vmem>> -> memref<16x1024xf32, #tpu.memory_space<vmem>>
    %dma_start3A_88 = arith.constant 0 : i32
    %dma_start3A_89 = tpu.memref_slice %arg4[%add3A_82, %dma_start3A_88] : memref<4096x1024xf32, #tpu.memory_space<hbm>> -> memref<16x1024xf32, #tpu.memory_space<hbm>>
    %dma_start3A_90 = arith.constant 0 : i32
    %dma_start3A_91 = tpu.memref_slice %arg4[%add3A_82, %dma_start3A_90] : memref<4096x1024xf32, #tpu.memory_space<hbm>> -> memref<16x1024xf32, #tpu.memory_space<hbm>>
    %dma_start3A_92 = arith.constant 0 : i32
    %dma_start3A_93 = arith.constant 0 : i32
    %dma_start3A_94 = tpu.memref_slice %arg6[%dma_start3A_83, %dma_start3A_92, %dma_start3A_93] : memref<7x16x1024xf32, #tpu.memory_space<vmem>> -> memref<1x16x1024xf32, #tpu.memory_space<vmem>>
    %dma_start3A_95 = tpu.memref_squeeze %dma_start3A_94 : memref<1x16x1024xf32, #tpu.memory_space<vmem>> -> memref<16x1024xf32, #tpu.memory_space<vmem>>
    tpu.enqueue_dma source(%dma_start3A_95 : memref<16x1024xf32, #tpu.memory_space<vmem>>) target(%dma_start3A_91 : memref<16x1024xf32, #tpu.memory_space<hbm>>) target_semaphore(%arg14 : memref<!tpu.dma_semaphore, #tpu.memory_space<semaphore_mem>>)
    %dma_wait3A_96 = arith.constant 0 : i32
    %dma_wait3A_97 = arith.constant 0 : i32
    %dma_wait3A_98 = arith.constant 0 : i32
    %dma_wait3A_99 = tpu.memref_slice %arg6[%dma_wait3A_96, %dma_wait3A_97, %dma_wait3A_98] : memref<7x16x1024xf32, #tpu.memory_space<vmem>> -> memref<1x16x1024xf32, #tpu.memory_space<vmem>>
    %dma_wait3A_100 = tpu.memref_squeeze %dma_wait3A_99 : memref<1x16x1024xf32, #tpu.memory_space<vmem>> -> memref<16x1024xf32, #tpu.memory_space<vmem>>
    %dma_wait3A_101 = arith.constant 0 : i32
    %dma_wait3A_102 = tpu.memref_slice %arg4[%add3A_82, %dma_wait3A_101] : memref<4096x1024xf32, #tpu.memory_space<hbm>> -> memref<16x1024xf32, #tpu.memory_space<hbm>>
    %dma_wait3A_103 = arith.constant 0 : i32
    %dma_wait3A_104 = tpu.memref_slice %arg4[%add3A_82, %dma_wait3A_103] : memref<4096x1024xf32, #tpu.memory_space<hbm>> -> memref<16x1024xf32, #tpu.memory_space<hbm>>
    %dma_wait3A_105 = arith.constant 0 : i32
    %dma_wait3A_106 = arith.constant 0 : i32
    %dma_wait3A_107 = tpu.memref_slice %arg6[%dma_wait3A_96, %dma_wait3A_105, %dma_wait3A_106] : memref<7x16x1024xf32, #tpu.memory_space<vmem>> -> memref<1x16x1024xf32, #tpu.memory_space<vmem>>
    %dma_wait3A_108 = tpu.memref_squeeze %dma_wait3A_107 : memref<1x16x1024xf32, #tpu.memory_space<vmem>> -> memref<16x1024xf32, #tpu.memory_space<vmem>>
    tpu.wait_dma2 semaphore(%arg14 : memref<!tpu.dma_semaphore, #tpu.memory_space<semaphore_mem>>) src(%dma_wait3A_108 : memref<16x1024xf32, #tpu.memory_space<vmem>>) dst(%dma_wait3A_104 : memref<16x1024xf32, #tpu.memory_space<hbm>>)
    %dma_start3A_109 = arith.constant 0 : i32
    %dma_start3A_110 = arith.constant 0 : i32
    %dma_start3A_111 = arith.constant 0 : i32
    %dma_start3A_112 = tpu.memref_slice %arg6[%dma_start3A_109, %dma_start3A_110, %dma_start3A_111] : memref<7x16x1024xf32, #tpu.memory_space<vmem>> -> memref<1x16x1024xf32, #tpu.memory_space<vmem>>
    %dma_start3A_113 = tpu.memref_squeeze %dma_start3A_112 : memref<1x16x1024xf32, #tpu.memory_space<vmem>> -> memref<16x1024xf32, #tpu.memory_space<vmem>>
    %dma_start3A_114 = arith.constant 112 : i32
    %dma_start3A_115 = tpu.memref_slice %arg5[%dma_start3A_114] : memref<128xi32, #tpu.memory_space<vmem>> -> memref<16xi32, #tpu.memory_space<vmem>>
    %dma_start3A_116 = arith.constant 0 : i32
    %dma_start3A_117 = arith.constant 0 : i32
    %dma_start3A_118 = tpu.memref_slice %arg3[%dma_start3A_116, %dma_start3A_117] : memref<8192x1024xf32, #tpu.memory_space<hbm>> -> memref<8192x1024xf32, #tpu.memory_space<hbm>>
    tpu.enqueue_indirect_dma source(%dma_start3A_118 : memref<8192x1024xf32, #tpu.memory_space<hbm>>) target(%dma_start3A_113 : memref<16x1024xf32, #tpu.memory_space<vmem>>) offsets(%dma_start3A_115 : memref<16xi32, #tpu.memory_space<vmem>>) semaphore(%arg7 : memref<!tpu.dma_semaphore, #tpu.memory_space<semaphore_mem>>)
    %dma_wait3A_119 = arith.constant 1 : i32
    %dma_wait3A_120 = arith.constant 0 : i32
    %dma_wait3A_121 = arith.constant 0 : i32
    %dma_wait3A_122 = tpu.memref_slice %arg6[%dma_wait3A_119, %dma_wait3A_120, %dma_wait3A_121] : memref<7x16x1024xf32, #tpu.memory_space<vmem>> -> memref<1x16x1024xf32, #tpu.memory_space<vmem>>
    %dma_wait3A_123 = tpu.memref_squeeze %dma_wait3A_122 : memref<1x16x1024xf32, #tpu.memory_space<vmem>> -> memref<16x1024xf32, #tpu.memory_space<vmem>>
    %dma_wait3A_124 = arith.constant 16 : i32
    %dma_wait3A_125 = tpu.memref_slice %arg5[%dma_wait3A_124] : memref<128xi32, #tpu.memory_space<vmem>> -> memref<16xi32, #tpu.memory_space<vmem>>
    %dma_wait3A_126 = arith.constant 0 : i32
    %dma_wait3A_127 = arith.constant 0 : i32
    %dma_wait3A_128 = tpu.memref_slice %arg3[%dma_wait3A_126, %dma_wait3A_127] : memref<8192x1024xf32, #tpu.memory_space<hbm>> -> memref<8192x1024xf32, #tpu.memory_space<hbm>>
    tpu.wait_indirect_dma semaphore(%arg8 : memref<!tpu.dma_semaphore, #tpu.memory_space<semaphore_mem>>) src(%dma_wait3A_128 : memref<8192x1024xf32, #tpu.memory_space<hbm>>) dst(%dma_wait3A_123 : memref<16x1024xf32, #tpu.memory_space<vmem>>)
    %add3A_129 = arith.constant 16 : i32
    %add3A_130 = arith.addi %mul3A_2, %add3A_129 : i32
    %dma_start3A_131 = arith.constant 1 : i32
    %dma_start3A_132 = arith.constant 0 : i32
    %dma_start3A_133 = arith.constant 0 : i32
    %dma_start3A_134 = tpu.memref_slice %arg6[%dma_start3A_131, %dma_start3A_132, %dma_start3A_133] : memref<7x16x1024xf32, #tpu.memory_space<vmem>> -> memref<1x16x1024xf32, #tpu.memory_space<vmem>>
    %dma_start3A_135 = tpu.memref_squeeze %dma_start3A_134 : memref<1x16x1024xf32, #tpu.memory_space<vmem>> -> memref<16x1024xf32, #tpu.memory_space<vmem>>
    %dma_start3A_136 = arith.constant 0 : i32
    %dma_start3A_137 = tpu.memref_slice %arg4[%add3A_130, %dma_start3A_136] : memref<4096x1024xf32, #tpu.memory_space<hbm>> -> memref<16x1024xf32, #tpu.memory_space<hbm>>
    %dma_start3A_138 = arith.constant 0 : i32
    %dma_start3A_139 = tpu.memref_slice %arg4[%add3A_130, %dma_start3A_138] : memref<4096x1024xf32, #tpu.memory_space<hbm>> -> memref<16x1024xf32, #tpu.memory_space<hbm>>
    %dma_start3A_140 = arith.constant 0 : i32
    %dma_start3A_141 = arith.constant 0 : i32
    %dma_start3A_142 = tpu.memref_slice %arg6[%dma_start3A_131, %dma_start3A_140, %dma_start3A_141] : memref<7x16x1024xf32, #tpu.memory_space<vmem>> -> memref<1x16x1024xf32, #tpu.memory_space<vmem>>
    %dma_start3A_143 = tpu.memref_squeeze %dma_start3A_142 : memref<1x16x1024xf32, #tpu.memory_space<vmem>> -> memref<16x1024xf32, #tpu.memory_space<vmem>>
    tpu.enqueue_dma source(%dma_start3A_143 : memref<16x1024xf32, #tpu.memory_space<vmem>>) target(%dma_start3A_139 : memref<16x1024xf32, #tpu.memory_space<hbm>>) target_semaphore(%arg15 : memref<!tpu.dma_semaphore, #tpu.memory_space<semaphore_mem>>)
    %dma_wait3A_144 = arith.constant 2 : i32
    %dma_wait3A_145 = arith.constant 0 : i32
    %dma_wait3A_146 = arith.constant 0 : i32
    %dma_wait3A_147 = tpu.memref_slice %arg6[%dma_wait3A_144, %dma_wait3A_145, %dma_wait3A_146] : memref<7x16x1024xf32, #tpu.memory_space<vmem>> -> memref<1x16x1024xf32, #tpu.memory_space<vmem>>
    %dma_wait3A_148 = tpu.memref_squeeze %dma_wait3A_147 : memref<1x16x1024xf32, #tpu.memory_space<vmem>> -> memref<16x1024xf32, #tpu.memory_space<vmem>>
    %dma_wait3A_149 = arith.constant 32 : i32
    %dma_wait3A_150 = tpu.memref_slice %arg5[%dma_wait3A_149] : memref<128xi32, #tpu.memory_space<vmem>> -> memref<16xi32, #tpu.memory_space<vmem>>
    %dma_wait3A_151 = arith.constant 0 : i32
    %dma_wait3A_152 = arith.constant 0 : i32
    %dma_wait3A_153 = tpu.memref_slice %arg3[%dma_wait3A_151, %dma_wait3A_152] : memref<8192x1024xf32, #tpu.memory_space<hbm>> -> memref<8192x1024xf32, #tpu.memory_space<hbm>>
    tpu.wait_indirect_dma semaphore(%arg9 : memref<!tpu.dma_semaphore, #tpu.memory_space<semaphore_mem>>) src(%dma_wait3A_153 : memref<8192x1024xf32, #tpu.memory_space<hbm>>) dst(%dma_wait3A_148 : memref<16x1024xf32, #tpu.memory_space<vmem>>)
    %add3A_154 = arith.constant 32 : i32
    %add3A_155 = arith.addi %mul3A_2, %add3A_154 : i32
    %dma_start3A_156 = arith.constant 2 : i32
    %dma_start3A_157 = arith.constant 0 : i32
    %dma_start3A_158 = arith.constant 0 : i32
    %dma_start3A_159 = tpu.memref_slice %arg6[%dma_start3A_156, %dma_start3A_157, %dma_start3A_158] : memref<7x16x1024xf32, #tpu.memory_space<vmem>> -> memref<1x16x1024xf32, #tpu.memory_space<vmem>>
    %dma_start3A_160 = tpu.memref_squeeze %dma_start3A_159 : memref<1x16x1024xf32, #tpu.memory_space<vmem>> -> memref<16x1024xf32, #tpu.memory_space<vmem>>
    %dma_start3A_161 = arith.constant 0 : i32
    %dma_start3A_162 = tpu.memref_slice %arg4[%add3A_155, %dma_start3A_161] : memref<4096x1024xf32, #tpu.memory_space<hbm>> -> memref<16x1024xf32, #tpu.memory_space<hbm>>
    %dma_start3A_163 = arith.constant 0 : i32
    %dma_start3A_164 = tpu.memref_slice %arg4[%add3A_155, %dma_start3A_163] : memref<4096x1024xf32, #tpu.memory_space<hbm>> -> memref<16x1024xf32, #tpu.memory_space<hbm>>
    %dma_start3A_165 = arith.constant 0 : i32
    %dma_start3A_166 = arith.constant 0 : i32
    %dma_start3A_167 = tpu.memref_slice %arg6[%dma_start3A_156, %dma_start3A_165, %dma_start3A_166] : memref<7x16x1024xf32, #tpu.memory_space<vmem>> -> memref<1x16x1024xf32, #tpu.memory_space<vmem>>
    %dma_start3A_168 = tpu.memref_squeeze %dma_start3A_167 : memref<1x16x1024xf32, #tpu.memory_space<vmem>> -> memref<16x1024xf32, #tpu.memory_space<vmem>>
    tpu.enqueue_dma source(%dma_start3A_168 : memref<16x1024xf32, #tpu.memory_space<vmem>>) target(%dma_start3A_164 : memref<16x1024xf32, #tpu.memory_space<hbm>>) target_semaphore(%arg16 : memref<!tpu.dma_semaphore, #tpu.memory_space<semaphore_mem>>)
    %dma_wait3A_169 = arith.constant 3 : i32
    %dma_wait3A_170 = arith.constant 0 : i32
    %dma_wait3A_171 = arith.constant 0 : i32
    %dma_wait3A_172 = tpu.memref_slice %arg6[%dma_wait3A_169, %dma_wait3A_170, %dma_wait3A_171] : memref<7x16x1024xf32, #tpu.memory_space<vmem>> -> memref<1x16x1024xf32, #tpu.memory_space<vmem>>
    %dma_wait3A_173 = tpu.memref_squeeze %dma_wait3A_172 : memref<1x16x1024xf32, #tpu.memory_space<vmem>> -> memref<16x1024xf32, #tpu.memory_space<vmem>>
    %dma_wait3A_174 = arith.constant 48 : i32
    %dma_wait3A_175 = tpu.memref_slice %arg5[%dma_wait3A_174] : memref<128xi32, #tpu.memory_space<vmem>> -> memref<16xi32, #tpu.memory_space<vmem>>
    %dma_wait3A_176 = arith.constant 0 : i32
    %dma_wait3A_177 = arith.constant 0 : i32
    %dma_wait3A_178 = tpu.memref_slice %arg3[%dma_wait3A_176, %dma_wait3A_177] : memref<8192x1024xf32, #tpu.memory_space<hbm>> -> memref<8192x1024xf32, #tpu.memory_space<hbm>>
    tpu.wait_indirect_dma semaphore(%arg10 : memref<!tpu.dma_semaphore, #tpu.memory_space<semaphore_mem>>) src(%dma_wait3A_178 : memref<8192x1024xf32, #tpu.memory_space<hbm>>) dst(%dma_wait3A_173 : memref<16x1024xf32, #tpu.memory_space<vmem>>)
    %add3A_179 = arith.constant 48 : i32
    %add3A_180 = arith.addi %mul3A_2, %add3A_179 : i32
    %dma_start3A_181 = arith.constant 3 : i32
    %dma_start3A_182 = arith.constant 0 : i32
    %dma_start3A_183 = arith.constant 0 : i32
    %dma_start3A_184 = tpu.memref_slice %arg6[%dma_start3A_181, %dma_start3A_182, %dma_start3A_183] : memref<7x16x1024xf32, #tpu.memory_space<vmem>> -> memref<1x16x1024xf32, #tpu.memory_space<vmem>>
    %dma_start3A_185 = tpu.memref_squeeze %dma_start3A_184 : memref<1x16x1024xf32, #tpu.memory_space<vmem>> -> memref<16x1024xf32, #tpu.memory_space<vmem>>
    %dma_start3A_186 = arith.constant 0 : i32
    %dma_start3A_187 = tpu.memref_slice %arg4[%add3A_180, %dma_start3A_186] : memref<4096x1024xf32, #tpu.memory_space<hbm>> -> memref<16x1024xf32, #tpu.memory_space<hbm>>
    %dma_start3A_188 = arith.constant 0 : i32
    %dma_start3A_189 = tpu.memref_slice %arg4[%add3A_180, %dma_start3A_188] : memref<4096x1024xf32, #tpu.memory_space<hbm>> -> memref<16x1024xf32, #tpu.memory_space<hbm>>
    %dma_start3A_190 = arith.constant 0 : i32
    %dma_start3A_191 = arith.constant 0 : i32
    %dma_start3A_192 = tpu.memref_slice %arg6[%dma_start3A_181, %dma_start3A_190, %dma_start3A_191] : memref<7x16x1024xf32, #tpu.memory_space<vmem>> -> memref<1x16x1024xf32, #tpu.memory_space<vmem>>
    %dma_start3A_193 = tpu.memref_squeeze %dma_start3A_192 : memref<1x16x1024xf32, #tpu.memory_space<vmem>> -> memref<16x1024xf32, #tpu.memory_space<vmem>>
    tpu.enqueue_dma source(%dma_start3A_193 : memref<16x1024xf32, #tpu.memory_space<vmem>>) target(%dma_start3A_189 : memref<16x1024xf32, #tpu.memory_space<hbm>>) target_semaphore(%arg17 : memref<!tpu.dma_semaphore, #tpu.memory_space<semaphore_mem>>)
    %dma_wait3A_194 = arith.constant 4 : i32
    %dma_wait3A_195 = arith.constant 0 : i32
    %dma_wait3A_196 = arith.constant 0 : i32
    %dma_wait3A_197 = tpu.memref_slice %arg6[%dma_wait3A_194, %dma_wait3A_195, %dma_wait3A_196] : memref<7x16x1024xf32, #tpu.memory_space<vmem>> -> memref<1x16x1024xf32, #tpu.memory_space<vmem>>
    %dma_wait3A_198 = tpu.memref_squeeze %dma_wait3A_197 : memref<1x16x1024xf32, #tpu.memory_space<vmem>> -> memref<16x1024xf32, #tpu.memory_space<vmem>>
    %dma_wait3A_199 = arith.constant 64 : i32
    %dma_wait3A_200 = tpu.memref_slice %arg5[%dma_wait3A_199] : memref<128xi32, #tpu.memory_space<vmem>> -> memref<16xi32, #tpu.memory_space<vmem>>
    %dma_wait3A_201 = arith.constant 0 : i32
    %dma_wait3A_202 = arith.constant 0 : i32
    %dma_wait3A_203 = tpu.memref_slice %arg3[%dma_wait3A_201, %dma_wait3A_202] : memref<8192x1024xf32, #tpu.memory_space<hbm>> -> memref<8192x1024xf32, #tpu.memory_space<hbm>>
    tpu.wait_indirect_dma semaphore(%arg11 : memref<!tpu.dma_semaphore, #tpu.memory_space<semaphore_mem>>) src(%dma_wait3A_203 : memref<8192x1024xf32, #tpu.memory_space<hbm>>) dst(%dma_wait3A_198 : memref<16x1024xf32, #tpu.memory_space<vmem>>)
    %add3A_204 = arith.constant 64 : i32
    %add3A_205 = arith.addi %mul3A_2, %add3A_204 : i32
    %dma_start3A_206 = arith.constant 4 : i32
    %dma_start3A_207 = arith.constant 0 : i32
    %dma_start3A_208 = arith.constant 0 : i32
    %dma_start3A_209 = tpu.memref_slice %arg6[%dma_start3A_206, %dma_start3A_207, %dma_start3A_208] : memref<7x16x1024xf32, #tpu.memory_space<vmem>> -> memref<1x16x1024xf32, #tpu.memory_space<vmem>>
    %dma_start3A_210 = tpu.memref_squeeze %dma_start3A_209 : memref<1x16x1024xf32, #tpu.memory_space<vmem>> -> memref<16x1024xf32, #tpu.memory_space<vmem>>
    %dma_start3A_211 = arith.constant 0 : i32
    %dma_start3A_212 = tpu.memref_slice %arg4[%add3A_205, %dma_start3A_211] : memref<4096x1024xf32, #tpu.memory_space<hbm>> -> memref<16x1024xf32, #tpu.memory_space<hbm>>
    %dma_start3A_213 = arith.constant 0 : i32
    %dma_start3A_214 = tpu.memref_slice %arg4[%add3A_205, %dma_start3A_213] : memref<4096x1024xf32, #tpu.memory_space<hbm>> -> memref<16x1024xf32, #tpu.memory_space<hbm>>
    %dma_start3A_215 = arith.constant 0 : i32
    %dma_start3A_216 = arith.constant 0 : i32
    %dma_start3A_217 = tpu.memref_slice %arg6[%dma_start3A_206, %dma_start3A_215, %dma_start3A_216] : memref<7x16x1024xf32, #tpu.memory_space<vmem>> -> memref<1x16x1024xf32, #tpu.memory_space<vmem>>
    %dma_start3A_218 = tpu.memref_squeeze %dma_start3A_217 : memref<1x16x1024xf32, #tpu.memory_space<vmem>> -> memref<16x1024xf32, #tpu.memory_space<vmem>>
    tpu.enqueue_dma source(%dma_start3A_218 : memref<16x1024xf32, #tpu.memory_space<vmem>>) target(%dma_start3A_214 : memref<16x1024xf32, #tpu.memory_space<hbm>>) target_semaphore(%arg18 : memref<!tpu.dma_semaphore, #tpu.memory_space<semaphore_mem>>)
    %dma_wait3A_219 = arith.constant 5 : i32
    %dma_wait3A_220 = arith.constant 0 : i32
    %dma_wait3A_221 = arith.constant 0 : i32
    %dma_wait3A_222 = tpu.memref_slice %arg6[%dma_wait3A_219, %dma_wait3A_220, %dma_wait3A_221] : memref<7x16x1024xf32, #tpu.memory_space<vmem>> -> memref<1x16x1024xf32, #tpu.memory_space<vmem>>
    %dma_wait3A_223 = tpu.memref_squeeze %dma_wait3A_222 : memref<1x16x1024xf32, #tpu.memory_space<vmem>> -> memref<16x1024xf32, #tpu.memory_space<vmem>>
    %dma_wait3A_224 = arith.constant 80 : i32
    %dma_wait3A_225 = tpu.memref_slice %arg5[%dma_wait3A_224] : memref<128xi32, #tpu.memory_space<vmem>> -> memref<16xi32, #tpu.memory_space<vmem>>
    %dma_wait3A_226 = arith.constant 0 : i32
    %dma_wait3A_227 = arith.constant 0 : i32
    %dma_wait3A_228 = tpu.memref_slice %arg3[%dma_wait3A_226, %dma_wait3A_227] : memref<8192x1024xf32, #tpu.memory_space<hbm>> -> memref<8192x1024xf32, #tpu.memory_space<hbm>>
    tpu.wait_indirect_dma semaphore(%arg12 : memref<!tpu.dma_semaphore, #tpu.memory_space<semaphore_mem>>) src(%dma_wait3A_228 : memref<8192x1024xf32, #tpu.memory_space<hbm>>) dst(%dma_wait3A_223 : memref<16x1024xf32, #tpu.memory_space<vmem>>)
    %add3A_229 = arith.constant 80 : i32
    %add3A_230 = arith.addi %mul3A_2, %add3A_229 : i32
    %dma_start3A_231 = arith.constant 5 : i32
    %dma_start3A_232 = arith.constant 0 : i32
    %dma_start3A_233 = arith.constant 0 : i32
    %dma_start3A_234 = tpu.memref_slice %arg6[%dma_start3A_231, %dma_start3A_232, %dma_start3A_233] : memref<7x16x1024xf32, #tpu.memory_space<vmem>> -> memref<1x16x1024xf32, #tpu.memory_space<vmem>>
    %dma_start3A_235 = tpu.memref_squeeze %dma_start3A_234 : memref<1x16x1024xf32, #tpu.memory_space<vmem>> -> memref<16x1024xf32, #tpu.memory_space<vmem>>
    %dma_start3A_236 = arith.constant 0 : i32
    %dma_start3A_237 = tpu.memref_slice %arg4[%add3A_230, %dma_start3A_236] : memref<4096x1024xf32, #tpu.memory_space<hbm>> -> memref<16x1024xf32, #tpu.memory_space<hbm>>
    %dma_start3A_238 = arith.constant 0 : i32
    %dma_start3A_239 = tpu.memref_slice %arg4[%add3A_230, %dma_start3A_238] : memref<4096x1024xf32, #tpu.memory_space<hbm>> -> memref<16x1024xf32, #tpu.memory_space<hbm>>
    %dma_start3A_240 = arith.constant 0 : i32
    %dma_start3A_241 = arith.constant 0 : i32
    %dma_start3A_242 = tpu.memref_slice %arg6[%dma_start3A_231, %dma_start3A_240, %dma_start3A_241] : memref<7x16x1024xf32, #tpu.memory_space<vmem>> -> memref<1x16x1024xf32, #tpu.memory_space<vmem>>
    %dma_start3A_243 = tpu.memref_squeeze %dma_start3A_242 : memref<1x16x1024xf32, #tpu.memory_space<vmem>> -> memref<16x1024xf32, #tpu.memory_space<vmem>>
    tpu.enqueue_dma source(%dma_start3A_243 : memref<16x1024xf32, #tpu.memory_space<vmem>>) target(%dma_start3A_239 : memref<16x1024xf32, #tpu.memory_space<hbm>>) target_semaphore(%arg19 : memref<!tpu.dma_semaphore, #tpu.memory_space<semaphore_mem>>)
    %dma_wait3A_244 = arith.constant 6 : i32
    %dma_wait3A_245 = arith.constant 0 : i32
    %dma_wait3A_246 = arith.constant 0 : i32
    %dma_wait3A_247 = tpu.memref_slice %arg6[%dma_wait3A_244, %dma_wait3A_245, %dma_wait3A_246] : memref<7x16x1024xf32, #tpu.memory_space<vmem>> -> memref<1x16x1024xf32, #tpu.memory_space<vmem>>
    %dma_wait3A_248 = tpu.memref_squeeze %dma_wait3A_247 : memref<1x16x1024xf32, #tpu.memory_space<vmem>> -> memref<16x1024xf32, #tpu.memory_space<vmem>>
    %dma_wait3A_249 = arith.constant 96 : i32
    %dma_wait3A_250 = tpu.memref_slice %arg5[%dma_wait3A_249] : memref<128xi32, #tpu.memory_space<vmem>> -> memref<16xi32, #tpu.memory_space<vmem>>
    %dma_wait3A_251 = arith.constant 0 : i32
    %dma_wait3A_252 = arith.constant 0 : i32
    %dma_wait3A_253 = tpu.memref_slice %arg3[%dma_wait3A_251, %dma_wait3A_252] : memref<8192x1024xf32, #tpu.memory_space<hbm>> -> memref<8192x1024xf32, #tpu.memory_space<hbm>>
    tpu.wait_indirect_dma semaphore(%arg13 : memref<!tpu.dma_semaphore, #tpu.memory_space<semaphore_mem>>) src(%dma_wait3A_253 : memref<8192x1024xf32, #tpu.memory_space<hbm>>) dst(%dma_wait3A_248 : memref<16x1024xf32, #tpu.memory_space<vmem>>)
    %add3A_254 = arith.constant 96 : i32
    %add3A_255 = arith.addi %mul3A_2, %add3A_254 : i32
    %dma_start3A_256 = arith.constant 6 : i32
    %dma_start3A_257 = arith.constant 0 : i32
    %dma_start3A_258 = arith.constant 0 : i32
    %dma_start3A_259 = tpu.memref_slice %arg6[%dma_start3A_256, %dma_start3A_257, %dma_start3A_258] : memref<7x16x1024xf32, #tpu.memory_space<vmem>> -> memref<1x16x1024xf32, #tpu.memory_space<vmem>>
    %dma_start3A_260 = tpu.memref_squeeze %dma_start3A_259 : memref<1x16x1024xf32, #tpu.memory_space<vmem>> -> memref<16x1024xf32, #tpu.memory_space<vmem>>
    %dma_start3A_261 = arith.constant 0 : i32
    %dma_start3A_262 = tpu.memref_slice %arg4[%add3A_255, %dma_start3A_261] : memref<4096x1024xf32, #tpu.memory_space<hbm>> -> memref<16x1024xf32, #tpu.memory_space<hbm>>
    %dma_start3A_263 = arith.constant 0 : i32
    %dma_start3A_264 = tpu.memref_slice %arg4[%add3A_255, %dma_start3A_263] : memref<4096x1024xf32, #tpu.memory_space<hbm>> -> memref<16x1024xf32, #tpu.memory_space<hbm>>
    %dma_start3A_265 = arith.constant 0 : i32
    %dma_start3A_266 = arith.constant 0 : i32
    %dma_start3A_267 = tpu.memref_slice %arg6[%dma_start3A_256, %dma_start3A_265, %dma_start3A_266] : memref<7x16x1024xf32, #tpu.memory_space<vmem>> -> memref<1x16x1024xf32, #tpu.memory_space<vmem>>
    %dma_start3A_268 = tpu.memref_squeeze %dma_start3A_267 : memref<1x16x1024xf32, #tpu.memory_space<vmem>> -> memref<16x1024xf32, #tpu.memory_space<vmem>>
    tpu.enqueue_dma source(%dma_start3A_268 : memref<16x1024xf32, #tpu.memory_space<vmem>>) target(%dma_start3A_264 : memref<16x1024xf32, #tpu.memory_space<hbm>>) target_semaphore(%arg20 : memref<!tpu.dma_semaphore, #tpu.memory_space<semaphore_mem>>)
    %dma_wait3A_269 = arith.constant 0 : i32
    %dma_wait3A_270 = arith.constant 0 : i32
    %dma_wait3A_271 = arith.constant 0 : i32
    %dma_wait3A_272 = tpu.memref_slice %arg6[%dma_wait3A_269, %dma_wait3A_270, %dma_wait3A_271] : memref<7x16x1024xf32, #tpu.memory_space<vmem>> -> memref<1x16x1024xf32, #tpu.memory_space<vmem>>
    %dma_wait3A_273 = tpu.memref_squeeze %dma_wait3A_272 : memref<1x16x1024xf32, #tpu.memory_space<vmem>> -> memref<16x1024xf32, #tpu.memory_space<vmem>>
    %dma_wait3A_274 = arith.constant 112 : i32
    %dma_wait3A_275 = tpu.memref_slice %arg5[%dma_wait3A_274] : memref<128xi32, #tpu.memory_space<vmem>> -> memref<16xi32, #tpu.memory_space<vmem>>
    %dma_wait3A_276 = arith.constant 0 : i32
    %dma_wait3A_277 = arith.constant 0 : i32
    %dma_wait3A_278 = tpu.memref_slice %arg3[%dma_wait3A_276, %dma_wait3A_277] : memref<8192x1024xf32, #tpu.memory_space<hbm>> -> memref<8192x1024xf32, #tpu.memory_space<hbm>>
    tpu.wait_indirect_dma semaphore(%arg7 : memref<!tpu.dma_semaphore, #tpu.memory_space<semaphore_mem>>) src(%dma_wait3A_278 : memref<8192x1024xf32, #tpu.memory_space<hbm>>) dst(%dma_wait3A_273 : memref<16x1024xf32, #tpu.memory_space<vmem>>)
    %add3A_279 = arith.constant 112 : i32
    %add3A_280 = arith.addi %mul3A_2, %add3A_279 : i32
    %dma_start3A_281 = arith.constant 0 : i32
    %dma_start3A_282 = arith.constant 0 : i32
    %dma_start3A_283 = arith.constant 0 : i32
    %dma_start3A_284 = tpu.memref_slice %arg6[%dma_start3A_281, %dma_start3A_282, %dma_start3A_283] : memref<7x16x1024xf32, #tpu.memory_space<vmem>> -> memref<1x16x1024xf32, #tpu.memory_space<vmem>>
    %dma_start3A_285 = tpu.memref_squeeze %dma_start3A_284 : memref<1x16x1024xf32, #tpu.memory_space<vmem>> -> memref<16x1024xf32, #tpu.memory_space<vmem>>
    %dma_start3A_286 = arith.constant 0 : i32
    %dma_start3A_287 = tpu.memref_slice %arg4[%add3A_280, %dma_start3A_286] : memref<4096x1024xf32, #tpu.memory_space<hbm>> -> memref<16x1024xf32, #tpu.memory_space<hbm>>
    %dma_start3A_288 = arith.constant 0 : i32
    %dma_start3A_289 = tpu.memref_slice %arg4[%add3A_280, %dma_start3A_288] : memref<4096x1024xf32, #tpu.memory_space<hbm>> -> memref<16x1024xf32, #tpu.memory_space<hbm>>
    %dma_start3A_290 = arith.constant 0 : i32
    %dma_start3A_291 = arith.constant 0 : i32
    %dma_start3A_292 = tpu.memref_slice %arg6[%dma_start3A_281, %dma_start3A_290, %dma_start3A_291] : memref<7x16x1024xf32, #tpu.memory_space<vmem>> -> memref<1x16x1024xf32, #tpu.memory_space<vmem>>
    %dma_start3A_293 = tpu.memref_squeeze %dma_start3A_292 : memref<1x16x1024xf32, #tpu.memory_space<vmem>> -> memref<16x1024xf32, #tpu.memory_space<vmem>>
    tpu.enqueue_dma source(%dma_start3A_293 : memref<16x1024xf32, #tpu.memory_space<vmem>>) target(%dma_start3A_289 : memref<16x1024xf32, #tpu.memory_space<hbm>>) target_semaphore(%arg14 : memref<!tpu.dma_semaphore, #tpu.memory_space<semaphore_mem>>)
    %dma_wait3A_294 = arith.constant 1 : i32
    %dma_wait3A_295 = arith.constant 0 : i32
    %dma_wait3A_296 = arith.constant 0 : i32
    %dma_wait3A_297 = tpu.memref_slice %arg6[%dma_wait3A_294, %dma_wait3A_295, %dma_wait3A_296] : memref<7x16x1024xf32, #tpu.memory_space<vmem>> -> memref<1x16x1024xf32, #tpu.memory_space<vmem>>
    %dma_wait3A_298 = tpu.memref_squeeze %dma_wait3A_297 : memref<1x16x1024xf32, #tpu.memory_space<vmem>> -> memref<16x1024xf32, #tpu.memory_space<vmem>>
    %dma_wait3A_299 = arith.constant 0 : i32
    %dma_wait3A_300 = tpu.memref_slice %arg4[%add3A_130, %dma_wait3A_299] : memref<4096x1024xf32, #tpu.memory_space<hbm>> -> memref<16x1024xf32, #tpu.memory_space<hbm>>
    %dma_wait3A_301 = arith.constant 0 : i32
    %dma_wait3A_302 = tpu.memref_slice %arg4[%add3A_130, %dma_wait3A_301] : memref<4096x1024xf32, #tpu.memory_space<hbm>> -> memref<16x1024xf32, #tpu.memory_space<hbm>>
    %dma_wait3A_303 = arith.constant 0 : i32
    %dma_wait3A_304 = arith.constant 0 : i32
    %dma_wait3A_305 = tpu.memref_slice %arg6[%dma_wait3A_294, %dma_wait3A_303, %dma_wait3A_304] : memref<7x16x1024xf32, #tpu.memory_space<vmem>> -> memref<1x16x1024xf32, #tpu.memory_space<vmem>>
    %dma_wait3A_306 = tpu.memref_squeeze %dma_wait3A_305 : memref<1x16x1024xf32, #tpu.memory_space<vmem>> -> memref<16x1024xf32, #tpu.memory_space<vmem>>
    tpu.wait_dma2 semaphore(%arg15 : memref<!tpu.dma_semaphore, #tpu.memory_space<semaphore_mem>>) src(%dma_wait3A_306 : memref<16x1024xf32, #tpu.memory_space<vmem>>) dst(%dma_wait3A_302 : memref<16x1024xf32, #tpu.memory_space<hbm>>)
    %dma_wait3A_307 = arith.constant 2 : i32
    %dma_wait3A_308 = arith.constant 0 : i32
    %dma_wait3A_309 = arith.constant 0 : i32
    %dma_wait3A_310 = tpu.memref_slice %arg6[%dma_wait3A_307, %dma_wait3A_308, %dma_wait3A_309] : memref<7x16x1024xf32, #tpu.memory_space<vmem>> -> memref<1x16x1024xf32, #tpu.memory_space<vmem>>
    %dma_wait3A_311 = tpu.memref_squeeze %dma_wait3A_310 : memref<1x16x1024xf32, #tpu.memory_space<vmem>> -> memref<16x1024xf32, #tpu.memory_space<vmem>>
    %dma_wait3A_312 = arith.constant 0 : i32
    %dma_wait3A_313 = tpu.memref_slice %arg4[%add3A_155, %dma_wait3A_312] : memref<4096x1024xf32, #tpu.memory_space<hbm>> -> memref<16x1024xf32, #tpu.memory_space<hbm>>
    %dma_wait3A_314 = arith.constant 0 : i32
    %dma_wait3A_315 = tpu.memref_slice %arg4[%add3A_155, %dma_wait3A_314] : memref<4096x1024xf32, #tpu.memory_space<hbm>> -> memref<16x1024xf32, #tpu.memory_space<hbm>>
    %dma_wait3A_316 = arith.constant 0 : i32
    %dma_wait3A_317 = arith.constant 0 : i32
    %dma_wait3A_318 = tpu.memref_slice %arg6[%dma_wait3A_307, %dma_wait3A_316, %dma_wait3A_317] : memref<7x16x1024xf32, #tpu.memory_space<vmem>> -> memref<1x16x1024xf32, #tpu.memory_space<vmem>>
    %dma_wait3A_319 = tpu.memref_squeeze %dma_wait3A_318 : memref<1x16x1024xf32, #tpu.memory_space<vmem>> -> memref<16x1024xf32, #tpu.memory_space<vmem>>
    tpu.wait_dma2 semaphore(%arg16 : memref<!tpu.dma_semaphore, #tpu.memory_space<semaphore_mem>>) src(%dma_wait3A_319 : memref<16x1024xf32, #tpu.memory_space<vmem>>) dst(%dma_wait3A_315 : memref<16x1024xf32, #tpu.memory_space<hbm>>)
    %dma_wait3A_320 = arith.constant 3 : i32
    %dma_wait3A_321 = arith.constant 0 : i32
    %dma_wait3A_322 = arith.constant 0 : i32
    %dma_wait3A_323 = tpu.memref_slice %arg6[%dma_wait3A_320, %dma_wait3A_321, %dma_wait3A_322] : memref<7x16x1024xf32, #tpu.memory_space<vmem>> -> memref<1x16x1024xf32, #tpu.memory_space<vmem>>
    %dma_wait3A_324 = tpu.memref_squeeze %dma_wait3A_323 : memref<1x16x1024xf32, #tpu.memory_space<vmem>> -> memref<16x1024xf32, #tpu.memory_space<vmem>>
    %dma_wait3A_325 = arith.constant 0 : i32
    %dma_wait3A_326 = tpu.memref_slice %arg4[%add3A_180, %dma_wait3A_325] : memref<4096x1024xf32, #tpu.memory_space<hbm>> -> memref<16x1024xf32, #tpu.memory_space<hbm>>
    %dma_wait3A_327 = arith.constant 0 : i32
    %dma_wait3A_328 = tpu.memref_slice %arg4[%add3A_180, %dma_wait3A_327] : memref<4096x1024xf32, #tpu.memory_space<hbm>> -> memref<16x1024xf32, #tpu.memory_space<hbm>>
    %dma_wait3A_329 = arith.constant 0 : i32
    %dma_wait3A_330 = arith.constant 0 : i32
    %dma_wait3A_331 = tpu.memref_slice %arg6[%dma_wait3A_320, %dma_wait3A_329, %dma_wait3A_330] : memref<7x16x1024xf32, #tpu.memory_space<vmem>> -> memref<1x16x1024xf32, #tpu.memory_space<vmem>>
    %dma_wait3A_332 = tpu.memref_squeeze %dma_wait3A_331 : memref<1x16x1024xf32, #tpu.memory_space<vmem>> -> memref<16x1024xf32, #tpu.memory_space<vmem>>
    tpu.wait_dma2 semaphore(%arg17 : memref<!tpu.dma_semaphore, #tpu.memory_space<semaphore_mem>>) src(%dma_wait3A_332 : memref<16x1024xf32, #tpu.memory_space<vmem>>) dst(%dma_wait3A_328 : memref<16x1024xf32, #tpu.memory_space<hbm>>)
    %dma_wait3A_333 = arith.constant 4 : i32
    %dma_wait3A_334 = arith.constant 0 : i32
    %dma_wait3A_335 = arith.constant 0 : i32
    %dma_wait3A_336 = tpu.memref_slice %arg6[%dma_wait3A_333, %dma_wait3A_334, %dma_wait3A_335] : memref<7x16x1024xf32, #tpu.memory_space<vmem>> -> memref<1x16x1024xf32, #tpu.memory_space<vmem>>
    %dma_wait3A_337 = tpu.memref_squeeze %dma_wait3A_336 : memref<1x16x1024xf32, #tpu.memory_space<vmem>> -> memref<16x1024xf32, #tpu.memory_space<vmem>>
    %dma_wait3A_338 = arith.constant 0 : i32
    %dma_wait3A_339 = tpu.memref_slice %arg4[%add3A_205, %dma_wait3A_338] : memref<4096x1024xf32, #tpu.memory_space<hbm>> -> memref<16x1024xf32, #tpu.memory_space<hbm>>
    %dma_wait3A_340 = arith.constant 0 : i32
    %dma_wait3A_341 = tpu.memref_slice %arg4[%add3A_205, %dma_wait3A_340] : memref<4096x1024xf32, #tpu.memory_space<hbm>> -> memref<16x1024xf32, #tpu.memory_space<hbm>>
    %dma_wait3A_342 = arith.constant 0 : i32
    %dma_wait3A_343 = arith.constant 0 : i32
    %dma_wait3A_344 = tpu.memref_slice %arg6[%dma_wait3A_333, %dma_wait3A_342, %dma_wait3A_343] : memref<7x16x1024xf32, #tpu.memory_space<vmem>> -> memref<1x16x1024xf32, #tpu.memory_space<vmem>>
    %dma_wait3A_345 = tpu.memref_squeeze %dma_wait3A_344 : memref<1x16x1024xf32, #tpu.memory_space<vmem>> -> memref<16x1024xf32, #tpu.memory_space<vmem>>
    tpu.wait_dma2 semaphore(%arg18 : memref<!tpu.dma_semaphore, #tpu.memory_space<semaphore_mem>>) src(%dma_wait3A_345 : memref<16x1024xf32, #tpu.memory_space<vmem>>) dst(%dma_wait3A_341 : memref<16x1024xf32, #tpu.memory_space<hbm>>)
    %dma_wait3A_346 = arith.constant 5 : i32
    %dma_wait3A_347 = arith.constant 0 : i32
    %dma_wait3A_348 = arith.constant 0 : i32
    %dma_wait3A_349 = tpu.memref_slice %arg6[%dma_wait3A_346, %dma_wait3A_347, %dma_wait3A_348] : memref<7x16x1024xf32, #tpu.memory_space<vmem>> -> memref<1x16x1024xf32, #tpu.memory_space<vmem>>
    %dma_wait3A_350 = tpu.memref_squeeze %dma_wait3A_349 : memref<1x16x1024xf32, #tpu.memory_space<vmem>> -> memref<16x1024xf32, #tpu.memory_space<vmem>>
    %dma_wait3A_351 = arith.constant 0 : i32
    %dma_wait3A_352 = tpu.memref_slice %arg4[%add3A_230, %dma_wait3A_351] : memref<4096x1024xf32, #tpu.memory_space<hbm>> -> memref<16x1024xf32, #tpu.memory_space<hbm>>
    %dma_wait3A_353 = arith.constant 0 : i32
    %dma_wait3A_354 = tpu.memref_slice %arg4[%add3A_230, %dma_wait3A_353] : memref<4096x1024xf32, #tpu.memory_space<hbm>> -> memref<16x1024xf32, #tpu.memory_space<hbm>>
    %dma_wait3A_355 = arith.constant 0 : i32
    %dma_wait3A_356 = arith.constant 0 : i32
    %dma_wait3A_357 = tpu.memref_slice %arg6[%dma_wait3A_346, %dma_wait3A_355, %dma_wait3A_356] : memref<7x16x1024xf32, #tpu.memory_space<vmem>> -> memref<1x16x1024xf32, #tpu.memory_space<vmem>>
    %dma_wait3A_358 = tpu.memref_squeeze %dma_wait3A_357 : memref<1x16x1024xf32, #tpu.memory_space<vmem>> -> memref<16x1024xf32, #tpu.memory_space<vmem>>
    tpu.wait_dma2 semaphore(%arg19 : memref<!tpu.dma_semaphore, #tpu.memory_space<semaphore_mem>>) src(%dma_wait3A_358 : memref<16x1024xf32, #tpu.memory_space<vmem>>) dst(%dma_wait3A_354 : memref<16x1024xf32, #tpu.memory_space<hbm>>)
    %dma_wait3A_359 = arith.constant 6 : i32
    %dma_wait3A_360 = arith.constant 0 : i32
    %dma_wait3A_361 = arith.constant 0 : i32
    %dma_wait3A_362 = tpu.memref_slice %arg6[%dma_wait3A_359, %dma_wait3A_360, %dma_wait3A_361] : memref<7x16x1024xf32, #tpu.memory_space<vmem>> -> memref<1x16x1024xf32, #tpu.memory_space<vmem>>
    %dma_wait3A_363 = tpu.memref_squeeze %dma_wait3A_362 : memref<1x16x1024xf32, #tpu.memory_space<vmem>> -> memref<16x1024xf32, #tpu.memory_space<vmem>>
    %dma_wait3A_364 = arith.constant 0 : i32
    %dma_wait3A_365 = tpu.memref_slice %arg4[%add3A_255, %dma_wait3A_364] : memref<4096x1024xf32, #tpu.memory_space<hbm>> -> memref<16x1024xf32, #tpu.memory_space<hbm>>
    %dma_wait3A_366 = arith.constant 0 : i32
    %dma_wait3A_367 = tpu.memref_slice %arg4[%add3A_255, %dma_wait3A_366] : memref<4096x1024xf32, #tpu.memory_space<hbm>> -> memref<16x1024xf32, #tpu.memory_space<hbm>>
    %dma_wait3A_368 = arith.constant 0 : i32
    %dma_wait3A_369 = arith.constant 0 : i32
    %dma_wait3A_370 = tpu.memref_slice %arg6[%dma_wait3A_359, %dma_wait3A_368, %dma_wait3A_369] : memref<7x16x1024xf32, #tpu.memory_space<vmem>> -> memref<1x16x1024xf32, #tpu.memory_space<vmem>>
    %dma_wait3A_371 = tpu.memref_squeeze %dma_wait3A_370 : memref<1x16x1024xf32, #tpu.memory_space<vmem>> -> memref<16x1024xf32, #tpu.memory_space<vmem>>
    tpu.wait_dma2 semaphore(%arg20 : memref<!tpu.dma_semaphore, #tpu.memory_space<semaphore_mem>>) src(%dma_wait3A_371 : memref<16x1024xf32, #tpu.memory_space<vmem>>) dst(%dma_wait3A_367 : memref<16x1024xf32, #tpu.memory_space<hbm>>)
    %dma_wait3A_372 = arith.constant 0 : i32
    %dma_wait3A_373 = arith.constant 0 : i32
    %dma_wait3A_374 = arith.constant 0 : i32
    %dma_wait3A_375 = tpu.memref_slice %arg6[%dma_wait3A_372, %dma_wait3A_373, %dma_wait3A_374] : memref<7x16x1024xf32, #tpu.memory_space<vmem>> -> memref<1x16x1024xf32, #tpu.memory_space<vmem>>
    %dma_wait3A_376 = tpu.memref_squeeze %dma_wait3A_375 : memref<1x16x1024xf32, #tpu.memory_space<vmem>> -> memref<16x1024xf32, #tpu.memory_space<vmem>>
    %dma_wait3A_377 = arith.constant 0 : i32
    %dma_wait3A_378 = tpu.memref_slice %arg4[%add3A_280, %dma_wait3A_377] : memref<4096x1024xf32, #tpu.memory_space<hbm>> -> memref<16x1024xf32, #tpu.memory_space<hbm>>
    %dma_wait3A_379 = arith.constant 0 : i32
    %dma_wait3A_380 = tpu.memref_slice %arg4[%add3A_280, %dma_wait3A_379] : memref<4096x1024xf32, #tpu.memory_space<hbm>> -> memref<16x1024xf32, #tpu.memory_space<hbm>>
    %dma_wait3A_381 = arith.constant 0 : i32
    %dma_wait3A_382 = arith.constant 0 : i32
    %dma_wait3A_383 = tpu.memref_slice %arg6[%dma_wait3A_372, %dma_wait3A_381, %dma_wait3A_382] : memref<7x16x1024xf32, #tpu.memory_space<vmem>> -> memref<1x16x1024xf32, #tpu.memory_space<vmem>>
    %dma_wait3A_384 = tpu.memref_squeeze %dma_wait3A_383 : memref<1x16x1024xf32, #tpu.memory_space<vmem>> -> memref<16x1024xf32, #tpu.memory_space<vmem>>
    tpu.wait_dma2 semaphore(%arg14 : memref<!tpu.dma_semaphore, #tpu.memory_space<semaphore_mem>>) src(%dma_wait3A_384 : memref<16x1024xf32, #tpu.memory_space<vmem>>) dst(%dma_wait3A_380 : memref<16x1024xf32, #tpu.memory_space<hbm>>)
    return
  }
}

</mosaic_0001>

<sc_bundles>
// kernel: kernel.3.cloned.1.call-start
scs
__scs_entry_jumppad:
0x0: {  	(pc) =	sbr.rel $0x88, $3  }
0x1: {  	(tag) =	ssettag $0x0;
	lr =	simm.s32 $0x1  }
0x2: {  	[smem:$0x3F9F] =	sst lr;
	_ =	strace $0xD0000000  }
0x3: {  	_ = 	snop  }
0x4: {  	_ = 	snop  }
0x5: {  	_ = 	snop  }
0x6: {  	_ = 	snop  }
0x7: {  	_ = 	snop  }
__scs_overlays_trampoline_lowered:
0x8: {  	[smem:$0x3FAE] =	sst s0  }
0x9: {  	[smem:$0x3FAF] =	sst s1  }
0xa: {  	[smem:$0x3FB0] =	sst s2  }
0xb: {  	[smem:$0x3FB1] =	sst s3  }
0xc: {  	[smem:$0x3FB2] =	sst s4  }
0xd: {  	[smem:$0x3FB3] =	sst s5  }
0xe: {  	[smem:$0x3FB4] =	sst s6  }
0xf: {  	[smem:$0x3FB5] =	sst s7  }
0x10: {  	[smem:$0x3FB6] =	sst s8  }
0x11: {  	[smem:$0x3FB7] =	sst s9;
	s0 =	simm.s32 @!p0 $0x0  }
0x12: {  	s1 =	sld [smem:$0x3F9D];
	s0 =	simm.s32 @p0 $0x1  }
0x13: {  	[smem:$0x3FB8] =	sst s0;
	s0 =	simm.s32 @!p1 $0x0  }
0x14: {  	s2 =	sld [smem:$0x3F9C];
	s0 =	simm.s32 @p1 $0x1  }
0x15: {  	[smem:$0x3FB9] =	sst s0;
	s0 =	simm.s32 @!p2 $0x0  }
0x16: {  	s3 =	sld [smem:$0x3FDB];
	s0 =	simm.s32 @p2 $0x1  }
0x17: {  	s4 =	simm.s32 $0x1BF5;
	[smem:$0x3FBB] =	sst s0  }
0x18: {  	s0 =	sld [smem:$0x3F9E];
	_ =	swait.ge [sflag:s4], $0x0  }
0x19: {  	s7 =	sld [smem:$0x3F9F]  }
0x1a: {  	s8 =	sadd.s32 $0xFFFFE003, lr  }
0x1b: {  	s9 =	sadd.s32 $0xFFFFFEF7, lr;
	s5 =	simm.s32 $0xFFFFFFFF;
	p2 =	slt.u32 s8, $0xFFFFF086  }
0x1c: {  	p1 =	slt.u32 s9, $0xF7A;
	s5 =	simm.s32 @!p2 $0x0  }
0x1d: {  	s5 =	simm.s32 @p1 $0x1;
	p0 =	seq.s32 s7, s2  }
0x1e: {  	s7 =	smul.u32 @!p0 $0xF7A, s2;
	p2 =	seq.s32 @!p0 s5, $0x0  }
0x1f: {  	s9 =	smul.u32 $0xF7A, s1;
	s8 =	simm.s32 @!p0 $0x1BF5;
	p2 =	por !p2, p0  }
0x20: {  	[sflag:s8] =	ssyncset.s32 @!p0 $0xFFFFF086;
	s6 =	sadd.s32 @!p0 s3, s7;
	s7 =	simm.s32 @!p0 $0x108  }
0x21: {  	s3 =	sadd.s32 s3, s9;
	s6 =	sadd.s32 @!p0 $0x88, s6;
	s7 =	simm.s32 @p2 $0x1082  }
0x22: {  	[simem:s7], [sflag:s8] =	dma.local @!p0 [hbm:s6], $0xF7A  }
0x23: {  	s9 =	sor.u32 $0xD0000000, s2;
	s6 =	simm.s32 $0x108;
	_ =	swait.ge @!p0 [sflag:s8], $0x0  }
0x24: {  	s3 =	sadd.s32 $0x88, s3;
	s6 =	simm.s32 @!p1 $0x1082;
	[sflag:s4] =	ssyncset.s32 $0xFFFFF086  }
0x25: {  	[simem:s6], [sflag:s4] =	dma.local [hbm:s3], $0xF7A  }
0x26: {  	[smem:$0x3F9F] =	sst s1;
	(tag) =	ssettag s2;
	_ =	strace s9  }
0x27: {  	s1 =	sld [smem:$0x3FAF]  }
0x28: {  	s2 =	sld [smem:$0x3FB0]  }
0x29: {  	s4 =	sld [smem:$0x3FB2]  }
0x2a: {  	p0 =	seq.s32 s5, $0x0;
	s5 =	sld [smem:$0x3FB3]  }
0x2b: {  	s6 =	sld [smem:$0x3FB4]  }
0x2c: {  	s7 =	sld [smem:$0x3FB5]  }
0x2d: {  	s3 =	simm.s32 $0x108;
	s8 =	sld [smem:$0x3FB6]  }
0x2e: {  	s3 =	simm.s32 @!p0 $0x1082;
	s9 =	sld [smem:$0x3FB7]  }
0x2f: {  	lr =	sadd.s32 s0, s3;
	s0 =	sld [smem:$0x3FAE]  }
0x30: {  	s3 =	sld [smem:$0x3FB1]  }
0x31: {  	[smem:$0x3FBA] =	sst s10  }
0x32: {  	s10 =	sld [smem:$0x3FB8];
	_ =	sdelay $0x3  }
0x33: {  	p0 =	seq.s32 s10, $0x1;
	s10 =	sld [smem:$0x3FBA];
	_ =	sdelay $0x3  }
0x34: {  	[smem:$0x3FBA] =	sst s10  }
0x35: {  	s10 =	sld [smem:$0x3FB9];
	_ =	sdelay $0x3  }
0x36: {  	p1 =	seq.s32 s10, $0x1;
	s10 =	sld [smem:$0x3FBA];
	_ =	sdelay $0x3  }
0x37: {  	[smem:$0x3FBA] =	sst s10  }
0x38: {  	s10 =	sld [smem:$0x3FBB]  }
0x39: {  	_ = 	snop;
	(pc) =	sbr.ind lr, $3  }
0x3a: {  	_ = 	snop  }
0x3b: {  	_ = 	snop  }
0x3c: {  	p2 =	seq.s32 s10, $0x1;
	s10 =	sld [smem:$0x3FBA]  }
0x3d: {  	_ =	shalt  }
0x3e: {  	_ =	shalt  }
0x3f: {  	_ =	shalt  }
0x40: {  	_ =	shalt  }
0x41: {  	_ =	shalt  }
0x42: {  	_ =	shalt  }
0x43: {  	_ =	shalt  }
0x44: {  	_ =	shalt  }
0x45: {  	_ =	shalt  }
0x46: {  	_ =	shalt  }
0x47: {  	_ =	shalt  }
0x48: {  	_ =	shalt  }
0x49: {  	_ =	shalt  }
0x4a: {  	_ =	shalt  }
0x4b: {  	_ =	shalt  }
0x4c: {  	_ =	shalt  }
0x4d: {  	_ =	shalt  }
0x4e: {  	_ =	shalt  }
0x4f: {  	_ =	shalt  }
0x50: {  	_ =	shalt  }
0x51: {  	_ =	shalt  }
0x52: {  	_ =	shalt  }
0x53: {  	_ =	shalt  }
0x54: {  	_ =	shalt  }
0x55: {  	_ =	shalt  }
0x56: {  	_ =	shalt  }
0x57: {  	_ =	shalt  }
0x58: {  	_ =	shalt  }
0x59: {  	_ =	shalt  }
0x5a: {  	_ =	shalt  }
0x5b: {  	_ =	shalt  }
0x5c: {  	_ =	shalt  }
0x5d: {  	_ =	shalt  }
0x5e: {  	_ =	shalt  }
0x5f: {  	_ =	shalt  }
0x60: {  	_ =	shalt  }
0x61: {  	_ =	shalt  }
0x62: {  	_ =	shalt  }
0x63: {  	_ =	shalt  }
0x64: {  	_ =	shalt  }
0x65: {  	_ =	shalt  }
0x66: {  	_ =	shalt  }
0x67: {  	_ =	shalt  }
0x68: {  	_ =	shalt  }
0x69: {  	_ =	shalt  }
0x6a: {  	_ =	shalt  }
0x6b: {  	_ =	shalt  }
0x6c: {  	_ =	shalt  }
0x6d: {  	_ =	shalt  }
0x6e: {  	_ =	shalt  }
0x6f: {  	_ =	shalt  }
0x70: {  	_ =	shalt  }
0x71: {  	_ =	shalt  }
0x72: {  	_ =	shalt  }
0x73: {  	_ =	shalt  }
0x74: {  	_ =	shalt  }
0x75: {  	_ =	shalt  }
0x76: {  	_ =	shalt  }
0x77: {  	_ =	shalt  }
0x78: {  	_ =	shalt  }
0x79: {  	_ =	shalt  }
0x7a: {  	_ =	shalt  }
0x7b: {  	_ =	shalt  }
0x7c: {  	_ =	shalt  }
0x7d: {  	_ =	shalt  }
0x7e: {  	_ =	shalt  }
0x7f: {  	_ =	shalt  }
0x80: {  	_ =	shalt  }
0x81: {  	_ =	shalt  }
0x82: {  	_ =	shalt  }
0x83: {  	_ =	shalt  }
0x84: {  	_ =	shalt  }
0x85: {  	_ =	shalt  }
0x86: {  	_ =	shalt  }
0x87: {  	_ =	shalt  }
.Lfunc_end0:
.L_simem_size_0:
called_computation_lowered:
.L_overlay_start_0:
0x88: {  	s2 =	sld [smem:$0x3FD9]  }
0x89: {  	s3 =	sld [smem:$0x3FFE];
	_ =	sdelay $0x1  }
0x8a: {  	s1 =	srdreg.scid  }
0x8b: {  	s0 =	sand.u32 $0x1, s1  }
0x8c: {  	s18 =	sshll.u32 s0, $0xA;
	s2 =	sadd.s32 s3, s2  }
0x8d: {  	s2 =	sadd.s32 s2, s18  }
0x8e: {  	[smem:$0x3FC6] =	sst s2  }
0x8f: {  	_ = 	snop  }
0x90: {  	s2 =	sld [smem:$0x3FC9]  }
0x91: {  	s19 =	sld [smem:$0x3FC8]  }
0x92: {  	s4 =	sld [smem:$0x3FD0];
	(tm) =	ssettm $0x1  }
0x93: {  	s5 =	sld [smem:$0x3FFB];
	_ =	sdelay $0x3  }
0x94: {  	_ =	strace s5  }
0x95: {  	s5 =	sld [smem:$0x3FFC];
	_ =	sdelay $0x3  }
0x96: {  	_ =	strace s5  }
0x97: {  	s5 =	sld [smem:$0x3FFD];
	_ =	sdelay $0x3  }
0x98: {  	_ =	strace s5  }
0x99: {  	_ =	strace $0x8FFFFFFF  }
0x9a: {  	s20 =	sld [smem:$0x3FDB];
	_ =	sdelay $0x1  }
0x9b: {  	s6 =	simm.s32 $_scs_section_size  }
0x9c: {  	s7 =	simm.s32 $_size__tile_overlayer_lowered;
	s8 =	simm.s32 $_tile_overlayer_lowered  }
0x9d: {  	s23 =	simm.s32 $0x1BFF;
	s22 =	sshll.u32 s8, $0x1;
	s5 =	sadd.s32 s6, s20  }
0x9e: {  	s9 =	simm.s32 $0x0;
	s21 =	sshll.u32 s7, $0x1;
	s7 =	sadd.s32 s22, s5  }
0x9f: {  	[timem:s9], [sflag:s23] =	dma.local [hbm:s7], s21  }
0xa0: {  	_ =	swait.ge [sflag:s23], s21  }
0xa1: {  	s6 =	ssub.s32 $0x0, s21;
	[sflag:s23] =	ssyncset.done $0x0  }
0xa2: {  	[sflag:s23] =	ssyncadd.s32 s6;
	_ =	sdelay $0x1  }
0xa3: {  	s24 =	simm.s32 $0x1B8B  }
0xa4: {  	_ =	swait.ge [sflag:s24], $0x1  }
0xa5: {  	[sflag:s24] =	ssyncset.done $0x0  }
0xa6: {  	s25 =	simm.s32 $0x1B8E;
	[sflag:s24] =	ssyncadd.s32 $0xFFFFFFFF  }
0xa7: {  	s26 =	simm.s32 $execute0_lowered;
	[smem:$0x3FD2] =	sst s25  }
0xa8: {  	s6 =	sshll.u32 s26, $0x1;
	_ =	strace $0x80000046;
	[dreg:$0x1] =	wrdreg $0xFFFFFFFF  }
0xa9: {  	s28 =	simm.s32 $_size_execute0_lowered;
	s5 =	sadd.s32 s5, s6;
	[dreg:$0x0] =	wrdreg $0x0  }
0xaa: {  	s6 =	sshll.u32 s28, $0x1;
	[dreg:$0x2] =	wrdreg s5  }
0xab: {  	[dreg:$0x3] =	wrdreg s6  }
0xac: {  	[dreg:$0x4] =	wrdreg $0xC0  }
0xad: {  	_ =	task [dreg:s9], $0x5FFFF  }
0xae: {  	[dreg:$0x1] =	wrdreg $0xFFFFFFFF  }
0xaf: {  	[dreg:$0x0] =	wrdreg $0x60  }
0xb0: {  	[dreg:$0x2] =	wrdreg s2  }
0xb1: {  	[dreg:$0x3] =	wrdreg s19  }
0xb2: {  	[dreg:$0x4] =	wrdreg s4  }
0xb3: {  	[dreg:$0x5] =	wrdreg $0x9  }
0xb4: {  	_ =	task.clear_ibuf [dreg:s9], $0x6FFFF;
	_ =	strace $0x90000046  }
0xb5: {  	s29 =	simm.s32 $0x9;
	_ =	strace $0x80000048  }
0xb6: {  	_ =	swait.ge [sflag:s29], $0x1  }
0xb7: {  	[sflag:s29] =	ssyncadd.s32 $0xFFFFFFFF  }
0xb8: {  	_ =	strace $0x90000048  }
0xb9: {  	_ =	sfence  }
0xba: {  	s30 =	sld [smem:$0x0];
	_ =	sdelay $0x2  }
0xbb: {  	s31 =	sshll.u32 s1, $0xD;
	s1 =	sshrl.u32 s1, $0x2  }
0xbc: {  	s3 =	sand.u32 $0x4000, s31;
	s1 =	sadd.s32 s1, s30  }
0xbd: {  	s0 =	sor.u32 s3, s0;
	s1 =	sshll.u32 s1, $0x11  }
0xbe: {  	s0 =	sor.u32 s1, s0  }
0xbf: {  	s0 =	sadd.s32 $0x8F2B, s0  }
0xc0: {  	[sflag:s0] =	ssyncadd.remote.s32 $0x1  }
0xc1: {  	_ =	sfence.sel $0xFFFF  }
0xc2: {  	[dreg:$0x0] =	wrdreg $0xFFFFFFFF;
	(pc) =	sbr.abs _section_cstart, $3  }
0xc3: {  	[dreg:$0x1] =	wrdreg $0xFFFFFFFF  }
0xc4: {  	_ =	task.clear_ibuf [dreg:s9], $0x2FFFF;
	_ =	strace $0x9FFFFFFF  }
0xc5: {  	(tm) =	ssettm $0x7FFFFFFF  }
tec
execute0_lowered:
.L_overlay_start_1:
0x0: {  	(tag) =	ssettag $0x1  }
0x1: {  	s1 =	rddreg [dreg:$0x0]  }
0x2: {  	s2 =	rddreg [dreg:$0x1];
	s3 =	stileid.u32  }
0x3: {  	s4 =	rddreg [dreg:$0x2];
	s5 =	sshll.u32 s3, $0x8;
	s3 =	simm.s32 $0x0  }
0x4: {  	s7 =	simm.s32 $0x4880;
	[smem:$0x7FF] =	sst s3  }
0x5: {  	s8 =	simm.s32 $0x5080;
	_ =	strace $0x80000047;
	[dreg:$0xc] =	wrdreg s7  }
0x6: {  	s9 =	simm.s32 $0x5880;
	[dreg:$0xd] =	wrdreg s8  }
0x7: {  	s10 =	simm.s32 $0x6080;
	[dreg:$0xe] =	wrdreg s9  }
0x8: {  	s11 =	simm.s32 $0x6880;
	[dreg:$0xf] =	wrdreg s10  }
0x9: {  	s12 =	simm.s32 $0x7080;
	[dreg:$0x10] =	wrdreg s11  }
0xa: {  	s13 =	simm.s32 $0x7880;
	[dreg:$0x11] =	wrdreg s12  }
0xb: {  	s14 =	simm.s32 $0x8880;
	[dreg:$0x12] =	wrdreg s13  }
0xc: {  	s15 =	simm.s32 $0x9080;
	[dreg:$0x13] =	wrdreg s14  }
0xd: {  	s16 =	simm.s32 $0x9880;
	[dreg:$0x14] =	wrdreg s15  }
0xe: {  	s17 =	simm.s32 $0xA080;
	[dreg:$0x15] =	wrdreg s16  }
0xf: {  	s18 =	simm.s32 $0xA880;
	[dreg:$0x16] =	wrdreg s17  }
0x10: {  	s19 =	simm.s32 $0xB080;
	[dreg:$0x17] =	wrdreg s18  }
0x11: {  	s20 =	simm.s32 $0xB880;
	[dreg:$0x18] =	wrdreg s19  }
0x12: {  	s21 =	simm.s32 $0xC880;
	[dreg:$0x19] =	wrdreg s20  }
0x13: {  	[dreg:$0x1a] =	wrdreg s21;
	s7 =	simm.s32 $0x11080  }
0x14: {  	s8 =	simm.s32 $0x11880;
	[smem:$0x7EA] =	sst s7  }
0x15: {  	s9 =	simm.s32 $0x12080;
	[smem:$0x7EB] =	sst s8  }
0x16: {  	s10 =	simm.s32 $0x12880;
	[smem:$0x7EC] =	sst s9  }
0x17: {  	s11 =	simm.s32 $0x13080;
	[smem:$0x7ED] =	sst s10  }
0x18: {  	s12 =	simm.s32 $0x13880;
	[smem:$0x7EE] =	sst s11  }
0x19: {  	s13 =	simm.s32 $0x14880;
	[smem:$0x7EF] =	sst s12  }
0x1a: {  	s14 =	simm.s32 $0x15080;
	[smem:$0x7F0] =	sst s13  }
0x1b: {  	s15 =	simm.s32 $0x15880;
	[smem:$0x7F1] =	sst s14  }
0x1c: {  	s0 =	srdreg.scid;
	s16 =	simm.s32 $0x16080;
	[smem:$0x7F2] =	sst s15  }
0x1d: {  	s28 =	simm.s32 $0xC080;
	s17 =	simm.s32 $0x16880;
	[smem:$0x7F3] =	sst s16  }
0x1e: {  	s0 =	sand.u32 $0x1, s0;
	s18 =	simm.s32 $0x17080;
	[smem:$0x7F4] =	sst s17  }
0x1f: {  	s6 =	sshll.u32 s0, $0x7;
	s19 =	simm.s32 $0x17880;
	[smem:$0x7F5] =	sst s18  }
0x20: {  	s5 =	sor.u32 s6, s5;
	s20 =	simm.s32 $0x18880;
	[smem:$0x7F6] =	sst s19  }
0x21: {  	s21 =	simm.s32 $0x19080;
	s6 =	sshrl.u32 s5, $0x3;
	[smem:$0x7F7] =	sst s20  }
0x22: {  	s5 =	sshll.u32 s5, $0x7;
	[smem:$0x7F8] =	sst s21;
	s1 =	sadd.s32 s1, s6  }
0x23: {  	s29 =	simm.s32 $0x10080;
	s4 =	sadd.s32 s4, s5;
	[dreg:$0x4] =	wrdreg s1  }
0x24: {  	s30 =	simm.s32 $0x14080;
	s22 =	sadd.s32 $0x800, s4;
	[smem:$0x7E7] =	sst s4  }
0x25: {  	s31 =	simm.s32 $0x18080;
	s23 =	sadd.s32 $0x1000, s4;
	[dreg:$0x5] =	wrdreg s22  }
0x26: {  	s0 =	ssub.s32 $0x2, s0;
	s24 =	sadd.s32 $0x1800, s4;
	[dreg:$0x6] =	wrdreg s23  }
0x27: {  	s7 =	sadd.s32 $0x300, s2;
	s25 =	sadd.s32 $0x2000, s4;
	[dreg:$0x7] =	wrdreg s24  }
0x28: {  	s10 =	simm.s32 $0x80;
	s26 =	sadd.s32 $0x2800, s4;
	[dreg:$0x8] =	wrdreg s25  }
0x29: {  	s11 =	simm.s32 $0xB;
	s5 =	sadd.s32 $0x3000, s4;
	[dreg:$0x9] =	wrdreg s26  }
0x2a: {  	s12 =	simm.s32 $0xC;
	s6 =	sadd.s32 $0x3800, s4;
	[dreg:$0xa] =	wrdreg s5  }
0x2b: {  	s13 =	simm.s32 $0xD;
	s4 =	simm.s32 $0xF880;
	[dreg:$0xb] =	wrdreg s6  }
0x2c: {  	s14 =	simm.s32 $0xE;
	s22 =	simm.s32 $0xD080;
	[smem:$0x7E8] =	sst s4  }
0x2d: {  	s17 =	simm.s32 $0x880;
	s23 =	simm.s32 $0xD880;
	[dreg:$0x1b] =	wrdreg s22  }
0x2e: {  	s18 =	simm.s32 $0x1080;
	s24 =	simm.s32 $0xE080;
	[dreg:$0x1c] =	wrdreg s23  }
0x2f: {  	s19 =	simm.s32 $0x1880;
	s25 =	simm.s32 $0xE880;
	[dreg:$0x1d] =	wrdreg s24  }
0x30: {  	s20 =	simm.s32 $0x2080;
	s26 =	simm.s32 $0xF080;
	[dreg:$0x1e] =	wrdreg s25  }
0x31: {  	s21 =	simm.s32 $0x2880;
	s6 =	simm.s32 $0x10880;
	[dreg:$0x1f] =	wrdreg s26  }
0x32: {  	s1 =	simm.s32 $0x7;
	[smem:$0x7E9] =	sst s6;
	s22 =	simm.s32 $0x19880  }
0x33: {  	s5 =	sshrl.u32 s0, $0x1;
	s23 =	simm.s32 $0x1A080;
	[smem:$0x7F9] =	sst s22  }
0x34: {  	s4 =	simm.s32 $0xA;
	s24 =	simm.s32 $0x1A880;
	[smem:$0x7FA] =	sst s23  }
0x35: {  	s0 =	ssub.s32 s0, s5;
	s25 =	simm.s32 $0x1B080;
	[smem:$0x7FB] =	sst s24  }
0x36: {  	s5 =	sadd.s32 $0x100, s2;
	s26 =	simm.s32 $0x1B880;
	[smem:$0x7FC] =	sst s25  }
0x37: {  	v2 =	vlaneseq.u32;
	s6 =	sadd.s32 $0x200, s2;
	s8 =	smax.u32 s0, $0x1;
	[smem:$0x7FD] =	sst s26  }
0x38: {  	vm0 =	vmmov $0xffff;
	v1 =	vshrl.u32 v2, $0x3;
	s24 =	simm.s32 $0x1;
	s25 =	simm.s32 $0x8;
	s0 =	simm.s32 $0x9  }
0x39: {  	v0 =	vand.u32 $0x7, v2;
	v2 =	vor.u32 $0x8, v2;
	v1 =	vmul.u32 $0x8, v1;
	s22 =	simm.s32 $0x3080;
	s23 =	simm.s32 $0x3880;
	s26 =	simm.s32 $0x8080  }
.LBB2_1:
0x3a: {  	s15 =	rddreg [dreg:$0x4];
	s9 =	simm.s32 $0xF  }
0x3b: {  	[tilespmem:s3], [sflag:$0xF] =	stream.linear.gather [hbm4b:s15+s3], $0x80, $0x38;
	[tilespmem:$0x1C080] =	vst v63  }
0x3c: {  	_ =	swait.ge [sflag:s9], $0x80  }
0x3d: {  	[sflag:s9] =	ssyncset.done $0x0  }
0x3e: {  	[sflag:s9] =	ssyncadd.s32 $0xFFFFFF80  }
0x3f: {  	v3 =	vld [tilespmem:$0x0];
	_ =	sdelay $0x4  }
0x40: {  	v4 =	vshll.u32 v3, $0x3  }
0x41: {  	v3 =	vand.u32 $0x7, v3;
	v4 =	vand.u32 $0xFFFFFFC0, v4  }
0x42: {  	v3 =	vor.u32 v3, v4  }
0x43: {  	v4 =	vperm.xlane v3, v0;
	_ =	sdelay $0x1  }
0x44: {  	v4 =	vadd.s32 v1, v4;
	_ =	sdelay $0x4  }
0x45: {  	[tilespmem:s10], [sflag:$0x1] =	stream.indirect_vreg.gather [hbm4b:s2+s3], $0x80, v4, vm0, $0xb8;
	[tilespmem:$0x1C080] =	vst v63  }
0x46: {  	v3 =	vperm.xlane v3, v2  }
0x47: {  	[tilespmem:s17], [sflag:$0x1] =	stream.indirect_vreg.gather [hbm4b:s5+s3], $0x80, v4, vm0, $0xb8;
	[tilespmem:$0x1C080] =	vst v63  }
0x48: {  	v3 =	vadd.s32 v1, v3  }
0x49: {  	[tilespmem:s18], [sflag:$0x1] =	stream.indirect_vreg.gather [hbm4b:s6+s3], $0x80, v4, vm0, $0xb8;
	[tilespmem:$0x1C080] =	vst v63  }
0x4a: {  	_ = 	snop  }
0x4b: {  	[tilespmem:s19], [sflag:$0x1] =	stream.indirect_vreg.gather [hbm4b:s7+s3], $0x80, v4, vm0, $0xb8;
	[tilespmem:$0x1C080] =	vst v63  }
0x4c: {  	_ = 	snop  }
0x4d: {  	[tilespmem:s20], [sflag:$0x1] =	stream.indirect_vreg.gather [hbm4b:s2+s3], $0x80, v3, vm0, $0xb8;
	[tilespmem:$0x1C080] =	vst v63  }
0x4e: {  	_ = 	snop  }
0x4f: {  	[tilespmem:s21], [sflag:$0x1] =	stream.indirect_vreg.gather [hbm4b:s5+s3], $0x80, v3, vm0, $0xb8;
	[tilespmem:$0x1C080] =	vst v63  }
0x50: {  	_ = 	snop  }
0x51: {  	[tilespmem:s22], [sflag:$0x1] =	stream.indirect_vreg.gather [hbm4b:s6+s3], $0x80, v3, vm0, $0xb8;
	[tilespmem:$0x1C080] =	vst v63  }
0x52: {  	_ = 	snop  }
0x53: {  	[tilespmem:s23], [sflag:$0x1] =	stream.indirect_vreg.gather [hbm4b:s7+s3], $0x80, v3, vm0, $0xb8;
	[tilespmem:$0x1C080] =	vst v63  }
0x54: {  	v3 =	vld [tilespmem:$0x10];
	_ =	sdelay $0x4  }
0x55: {  	v57 =	vshll.u32 v3, $0x3  }
0x56: {  	v3 =	vand.u32 $0x7, v3;
	v4 =	vand.u32 $0xFFFFFFC0, v57  }
0x57: {  	v3 =	vor.u32 v3, v4  }
0x58: {  	v4 =	vperm.xlane v3, v0;
	_ =	sdelay $0x1  }
0x59: {  	v4 =	vadd.s32 v1, v4;
	_ =	sdelay $0x3  }
0x5a: {  	s9 =	simm.s32 $0x4080  }
0x5b: {  	[tilespmem:s9], [sflag:$0x2] =	stream.indirect_vreg.gather [hbm4b:s2+s3], $0x80, v4, vm0, $0xb8;
	[tilespmem:$0x1C080] =	vst v63  }
0x5c: {  	s15 =	rddreg [dreg:$0xc];
	v3 =	vperm.xlane v3, v2  }
0x5d: {  	[tilespmem:s15], [sflag:$0x2] =	stream.indirect_vreg.gather [hbm4b:s5+s3], $0x80, v4, vm0, $0xb8;
	[tilespmem:$0x1C080] =	vst v63  }
0x5e: {  	s16 =	rddreg [dreg:$0xd];
	v3 =	vadd.s32 v1, v3  }
0x5f: {  	[tilespmem:s16], [sflag:$0x2] =	stream.indirect_vreg.gather [hbm4b:s6+s3], $0x80, v4, vm0, $0xb8;
	[tilespmem:$0x1C080] =	vst v63  }
0x60: {  	s15 =	rddreg [dreg:$0xe]  }
0x61: {  	[tilespmem:s15], [sflag:$0x2] =	stream.indirect_vreg.gather [hbm4b:s7+s3], $0x80, v4, vm0, $0xb8;
	[tilespmem:$0x1C080] =	vst v63  }
0x62: {  	s16 =	rddreg [dreg:$0xf]  }
0x63: {  	[tilespmem:s16], [sflag:$0x2] =	stream.indirect_vreg.gather [hbm4b:s2+s3], $0x80, v3, vm0, $0xb8;
	[tilespmem:$0x1C080] =	vst v63  }
0x64: {  	s15 =	rddreg [dreg:$0x10]  }
0x65: {  	[tilespmem:s15], [sflag:$0x2] =	stream.indirect_vreg.gather [hbm4b:s5+s3], $0x80, v3, vm0, $0xb8;
	[tilespmem:$0x1C080] =	vst v63  }
0x66: {  	s16 =	rddreg [dreg:$0x11]  }
0x67: {  	[tilespmem:s16], [sflag:$0x2] =	stream.indirect_vreg.gather [hbm4b:s6+s3], $0x80, v3, vm0, $0xb8;
	[tilespmem:$0x1C080] =	vst v63  }
0x68: {  	s15 =	rddreg [dreg:$0x12]  }
0x69: {  	[tilespmem:s15], [sflag:$0x2] =	stream.indirect_vreg.gather [hbm4b:s7+s3], $0x80, v3, vm0, $0xb8;
	[tilespmem:$0x1C080] =	vst v63  }
0x6a: {  	v3 =	vld [tilespmem:$0x20];
	_ =	sdelay $0x4  }
0x6b: {  	v58 =	vshll.u32 v3, $0x3  }
0x6c: {  	v3 =	vand.u32 $0x7, v3;
	v4 =	vand.u32 $0xFFFFFFC0, v58  }
0x6d: {  	v3 =	vor.u32 v3, v4  }
0x6e: {  	v4 =	vperm.xlane v3, v0;
	_ =	sdelay $0x1  }
0x6f: {  	v4 =	vadd.s32 v1, v4;
	_ =	sdelay $0x4  }
0x70: {  	[tilespmem:s26], [sflag:$0x3] =	stream.indirect_vreg.gather [hbm4b:s2+s3], $0x80, v4, vm0, $0xb8;
	[tilespmem:$0x1C080] =	vst v63  }
0x71: {  	s15 =	rddreg [dreg:$0x13];
	v3 =	vperm.xlane v3, v2  }
0x72: {  	[tilespmem:s15], [sflag:$0x3] =	stream.indirect_vreg.gather [hbm4b:s5+s3], $0x80, v4, vm0, $0xb8;
	[tilespmem:$0x1C080] =	vst v63  }
0x73: {  	s16 =	rddreg [dreg:$0x14];
	v3 =	vadd.s32 v1, v3  }
0x74: {  	[tilespmem:s16], [sflag:$0x3] =	stream.indirect_vreg.gather [hbm4b:s6+s3], $0x80, v4, vm0, $0xb8;
	[tilespmem:$0x1C080] =	vst v63  }
0x75: {  	s15 =	rddreg [dreg:$0x15]  }
0x76: {  	[tilespmem:s15], [sflag:$0x3] =	stream.indirect_vreg.gather [hbm4b:s7+s3], $0x80, v4, vm0, $0xb8;
	[tilespmem:$0x1C080] =	vst v63  }
0x77: {  	s16 =	rddreg [dreg:$0x16]  }
0x78: {  	[tilespmem:s16], [sflag:$0x3] =	stream.indirect_vreg.gather [hbm4b:s2+s3], $0x80, v3, vm0, $0xb8;
	[tilespmem:$0x1C080] =	vst v63  }
0x79: {  	s15 =	rddreg [dreg:$0x17]  }
0x7a: {  	[tilespmem:s15], [sflag:$0x3] =	stream.indirect_vreg.gather [hbm4b:s5+s3], $0x80, v3, vm0, $0xb8;
	[tilespmem:$0x1C080] =	vst v63  }
0x7b: {  	s16 =	rddreg [dreg:$0x18]  }
0x7c: {  	[tilespmem:s16], [sflag:$0x3] =	stream.indirect_vreg.gather [hbm4b:s6+s3], $0x80, v3, vm0, $0xb8;
	[tilespmem:$0x1C080] =	vst v63  }
0x7d: {  	s15 =	rddreg [dreg:$0x19]  }
0x7e: {  	[tilespmem:s15], [sflag:$0x3] =	stream.indirect_vreg.gather [hbm4b:s7+s3], $0x80, v3, vm0, $0xb8;
	[tilespmem:$0x1C080] =	vst v63  }
0x7f: {  	v3 =	vld [tilespmem:$0x30];
	_ =	sdelay $0x4  }
0x80: {  	v59 =	vshll.u32 v3, $0x3  }
0x81: {  	v3 =	vand.u32 $0x7, v3;
	v4 =	vand.u32 $0xFFFFFFC0, v59  }
0x82: {  	v3 =	vor.u32 v3, v4  }
0x83: {  	v4 =	vperm.xlane v3, v0;
	_ =	sdelay $0x1  }
0x84: {  	v4 =	vadd.s32 v1, v4;
	_ =	sdelay $0x3  }
0x85: {  	s16 =	rddreg [dreg:$0x1b]  }
0x86: {  	[tilespmem:s28], [sflag:$0x4] =	stream.indirect_vreg.gather [hbm4b:s2+s3], $0x80, v4, vm0, $0xb8;
	[tilespmem:$0x1C080] =	vst v63  }
0x87: {  	s15 =	rddreg [dreg:$0x1a];
	v3 =	vperm.xlane v3, v2  }
0x88: {  	[tilespmem:s15], [sflag:$0x4] =	stream.indirect_vreg.gather [hbm4b:s5+s3], $0x80, v4, vm0, $0xb8;
	[tilespmem:$0x1C080] =	vst v63  }
0x89: {  	v3 =	vadd.s32 v1, v3;
	s15 =	rddreg [dreg:$0x1c]  }
0x8a: {  	[tilespmem:s16], [sflag:$0x4] =	stream.indirect_vreg.gather [hbm4b:s6+s3], $0x80, v4, vm0, $0xb8;
	[tilespmem:$0x1C080] =	vst v63  }
0x8b: {  	s16 =	rddreg [dreg:$0x1d]  }
0x8c: {  	[tilespmem:s15], [sflag:$0x4] =	stream.indirect_vreg.gather [hbm4b:s7+s3], $0x80, v4, vm0, $0xb8;
	[tilespmem:$0x1C080] =	vst v63  }
0x8d: {  	s15 =	rddreg [dreg:$0x1e]  }
0x8e: {  	[tilespmem:s16], [sflag:$0x4] =	stream.indirect_vreg.gather [hbm4b:s2+s3], $0x80, v3, vm0, $0xb8;
	[tilespmem:$0x1C080] =	vst v63  }
0x8f: {  	s16 =	rddreg [dreg:$0x1f]  }
0x90: {  	[tilespmem:s15], [sflag:$0x4] =	stream.indirect_vreg.gather [hbm4b:s5+s3], $0x80, v3, vm0, $0xb8;
	[tilespmem:$0x1C080] =	vst v63  }
0x91: {  	s15 =	sld [smem:$0x7E8]  }
0x92: {  	[tilespmem:s16], [sflag:$0x4] =	stream.indirect_vreg.gather [hbm4b:s6+s3], $0x80, v3, vm0, $0xb8;
	[tilespmem:$0x1C080] =	vst v63  }
0x93: {  	_ = 	snop  }
0x94: {  	[tilespmem:s15], [sflag:$0x4] =	stream.indirect_vreg.gather [hbm4b:s7+s3], $0x80, v3, vm0, $0xb8;
	[tilespmem:$0x1C080] =	vst v63  }
0x95: {  	v3 =	vld [tilespmem:$0x40];
	_ =	sdelay $0x4  }
0x96: {  	v60 =	vshll.u32 v3, $0x3  }
0x97: {  	v3 =	vand.u32 $0x7, v3;
	v4 =	vand.u32 $0xFFFFFFC0, v60  }
0x98: {  	v3 =	vor.u32 v3, v4  }
0x99: {  	v4 =	vperm.xlane v3, v0;
	_ =	sdelay $0x1  }
0x9a: {  	v4 =	vadd.s32 v1, v4;
	_ =	sdelay $0x3  }
0x9b: {  	s15 =	sld [smem:$0x7E9]  }
0x9c: {  	[tilespmem:s29], [sflag:$0x5] =	stream.indirect_vreg.gather [hbm4b:s2+s3], $0x80, v4, vm0, $0xb8;
	[tilespmem:$0x1C080] =	vst v63  }
0x9d: {  	s16 =	sld [smem:$0x7EA];
	v3 =	vperm.xlane v3, v2  }
0x9e: {  	[tilespmem:s15], [sflag:$0x5] =	stream.indirect_vreg.gather [hbm4b:s5+s3], $0x80, v4, vm0, $0xb8;
	[tilespmem:$0x1C080] =	vst v63  }
0x9f: {  	v3 =	vadd.s32 v1, v3;
	s15 =	sld [smem:$0x7EB]  }
0xa0: {  	[tilespmem:s16], [sflag:$0x5] =	stream.indirect_vreg.gather [hbm4b:s6+s3], $0x80, v4, vm0, $0xb8;
	[tilespmem:$0x1C080] =	vst v63  }
0xa1: {  	s16 =	sld [smem:$0x7EC]  }
0xa2: {  	[tilespmem:s15], [sflag:$0x5] =	stream.indirect_vreg.gather [hbm4b:s7+s3], $0x80, v4, vm0, $0xb8;
	[tilespmem:$0x1C080] =	vst v63  }
0xa3: {  	s15 =	sld [smem:$0x7ED]  }
0xa4: {  	[tilespmem:s16], [sflag:$0x5] =	stream.indirect_vreg.gather [hbm4b:s2+s3], $0x80, v3, vm0, $0xb8;
	[tilespmem:$0x1C080] =	vst v63  }
0xa5: {  	s16 =	sld [smem:$0x7EE]  }
0xa6: {  	[tilespmem:s15], [sflag:$0x5] =	stream.indirect_vreg.gather [hbm4b:s5+s3], $0x80, v3, vm0, $0xb8;
	[tilespmem:$0x1C080] =	vst v63  }
0xa7: {  	s15 =	sld [smem:$0x7EF]  }
0xa8: {  	[tilespmem:s16], [sflag:$0x5] =	stream.indirect_vreg.gather [hbm4b:s6+s3], $0x80, v3, vm0, $0xb8;
	[tilespmem:$0x1C080] =	vst v63  }
0xa9: {  	_ = 	snop  }
0xaa: {  	[tilespmem:s15], [sflag:$0x5] =	stream.indirect_vreg.gather [hbm4b:s7+s3], $0x80, v3, vm0, $0xb8;
	[tilespmem:$0x1C080] =	vst v63  }
0xab: {  	v3 =	vld [tilespmem:$0x50];
	_ =	sdelay $0x4  }
0xac: {  	v61 =	vshll.u32 v3, $0x3  }
0xad: {  	v3 =	vand.u32 $0x7, v3;
	v4 =	vand.u32 $0xFFFFFFC0, v61  }
0xae: {  	v3 =	vor.u32 v3, v4  }
0xaf: {  	v4 =	vperm.xlane v3, v0;
	_ =	sdelay $0x1  }
0xb0: {  	v4 =	vadd.s32 v1, v4;
	_ =	sdelay $0x3  }
0xb1: {  	s15 =	sld [smem:$0x7F0]  }
0xb2: {  	[tilespmem:s30], [sflag:$0x6] =	stream.indirect_vreg.gather [hbm4b:s2+s3], $0x80, v4, vm0, $0xb8;
	[tilespmem:$0x1C080] =	vst v63  }
0xb3: {  	s16 =	sld [smem:$0x7F1];
	v3 =	vperm.xlane v3, v2  }
0xb4: {  	[tilespmem:s15], [sflag:$0x6] =	stream.indirect_vreg.gather [hbm4b:s5+s3], $0x80, v4, vm0, $0xb8;
	[tilespmem:$0x1C080] =	vst v63  }
0xb5: {  	v3 =	vadd.s32 v1, v3;
	s15 =	sld [smem:$0x7F2]  }
0xb6: {  	[tilespmem:s16], [sflag:$0x6] =	stream.indirect_vreg.gather [hbm4b:s6+s3], $0x80, v4, vm0, $0xb8;
	[tilespmem:$0x1C080] =	vst v63  }
0xb7: {  	s16 =	sld [smem:$0x7F3]  }
0xb8: {  	[tilespmem:s15], [sflag:$0x6] =	stream.indirect_vreg.gather [hbm4b:s7+s3], $0x80, v4, vm0, $0xb8;
	[tilespmem:$0x1C080] =	vst v63  }
0xb9: {  	s15 =	sld [smem:$0x7F4]  }
0xba: {  	[tilespmem:s16], [sflag:$0x6] =	stream.indirect_vreg.gather [hbm4b:s2+s3], $0x80, v3, vm0, $0xb8;
	[tilespmem:$0x1C080] =	vst v63  }
0xbb: {  	s16 =	sld [smem:$0x7F5]  }
0xbc: {  	[tilespmem:s15], [sflag:$0x6] =	stream.indirect_vreg.gather [hbm4b:s5+s3], $0x80, v3, vm0, $0xb8;
	[tilespmem:$0x1C080] =	vst v63  }
0xbd: {  	s15 =	sld [smem:$0x7F6]  }
0xbe: {  	[tilespmem:s16], [sflag:$0x6] =	stream.indirect_vreg.gather [hbm4b:s6+s3], $0x80, v3, vm0, $0xb8;
	[tilespmem:$0x1C080] =	vst v63  }
0xbf: {  	_ = 	snop  }
0xc0: {  	[tilespmem:s15], [sflag:$0x6] =	stream.indirect_vreg.gather [hbm4b:s7+s3], $0x80, v3, vm0, $0xb8;
	[tilespmem:$0x1C080] =	vst v63  }
0xc1: {  	v3 =	vld [tilespmem:$0x60];
	_ =	sdelay $0x4  }
0xc2: {  	v62 =	vshll.u32 v3, $0x3  }
0xc3: {  	v3 =	vand.u32 $0x7, v3;
	v4 =	vand.u32 $0xFFFFFFC0, v62  }
0xc4: {  	v3 =	vor.u32 v3, v4  }
0xc5: {  	v4 =	vperm.xlane v3, v0;
	_ =	sdelay $0x1  }
0xc6: {  	v4 =	vadd.s32 v1, v4;
	_ =	sdelay $0x3  }
0xc7: {  	s15 =	sld [smem:$0x7F7]  }
0xc8: {  	[tilespmem:s31], [sflag:$0x7] =	stream.indirect_vreg.gather [hbm4b:s2+s3], $0x80, v4, vm0, $0xb8;
	[tilespmem:$0x1C080] =	vst v63  }
0xc9: {  	s16 =	sld [smem:$0x7F8];
	v3 =	vperm.xlane v3, v2  }
0xca: {  	[tilespmem:s15], [sflag:$0x7] =	stream.indirect_vreg.gather [hbm4b:s5+s3], $0x80, v4, vm0, $0xb8;
	[tilespmem:$0x1C080] =	vst v63  }
0xcb: {  	v3 =	vadd.s32 v1, v3;
	s15 =	sld [smem:$0x7F9]  }
0xcc: {  	[tilespmem:s16], [sflag:$0x7] =	stream.indirect_vreg.gather [hbm4b:s6+s3], $0x80, v4, vm0, $0xb8;
	[tilespmem:$0x1C080] =	vst v63  }
0xcd: {  	s16 =	sld [smem:$0x7FA]  }
0xce: {  	[tilespmem:s15], [sflag:$0x7] =	stream.indirect_vreg.gather [hbm4b:s7+s3], $0x80, v4, vm0, $0xb8;
	[tilespmem:$0x1C080] =	vst v63  }
0xcf: {  	s15 =	sld [smem:$0x7FB]  }
0xd0: {  	[tilespmem:s16], [sflag:$0x7] =	stream.indirect_vreg.gather [hbm4b:s2+s3], $0x80, v3, vm0, $0xb8;
	[tilespmem:$0x1C080] =	vst v63  }
0xd1: {  	s16 =	sld [smem:$0x7FC]  }
0xd2: {  	[tilespmem:s15], [sflag:$0x7] =	stream.indirect_vreg.gather [hbm4b:s5+s3], $0x80, v3, vm0, $0xb8;
	[tilespmem:$0x1C080] =	vst v63  }
0xd3: {  	s15 =	sld [smem:$0x7FD]  }
0xd4: {  	[tilespmem:s16], [sflag:$0x7] =	stream.indirect_vreg.gather [hbm4b:s6+s3], $0x80, v3, vm0, $0xb8;
	[tilespmem:$0x1C080] =	vst v63  }
0xd5: {  	_ = 	snop  }
0xd6: {  	[tilespmem:s15], [sflag:$0x7] =	stream.indirect_vreg.gather [hbm4b:s7+s3], $0x80, v3, vm0, $0xb8;
	[tilespmem:$0x1C080] =	vst v63  }
0xd7: {  	_ =	swait.ge [sflag:s24], $0x4000  }
0xd8: {  	s16 =	sld [smem:$0x7E7]  }
0xd9: {  	[sflag:s24] =	ssyncset.done $0x0  }
0xda: {  	[sflag:s24] =	ssyncadd.s32 $0xFFFFC000  }
0xdb: {  	[hbm4b:s16+s3] =	stream.linear.scatter [tilespmem:s10], [sflag:$0x8], $0x4000, $0x38;
	[tilespmem:$0x1C080] =	vst v63  }
0xdc: {  	_ =	swait.ge [sflag:s25], $0x4000  }
0xdd: {  	[sflag:s25] =	ssyncset.done $0x0  }
0xde: {  	[sflag:s25] =	ssyncadd.s32 $0xFFFFC000  }
0xdf: {  	v3 =	vld [tilespmem:$0x70];
	_ =	sdelay $0x4  }
0xe0: {  	v63 =	vshll.u32 v3, $0x3  }
0xe1: {  	v3 =	vand.u32 $0x7, v3;
	v4 =	vand.u32 $0xFFFFFFC0, v63  }
0xe2: {  	v3 =	vor.u32 v3, v4  }
0xe3: {  	v4 =	vperm.xlane v3, v0;
	_ =	sdelay $0x1  }
0xe4: {  	v4 =	vadd.s32 v1, v4;
	_ =	sdelay $0x4  }
0xe5: {  	[tilespmem:s10], [sflag:$0x1] =	stream.indirect_vreg.gather [hbm4b:s2+s3], $0x80, v4, vm0, $0xb8;
	[tilespmem:$0x1C080] =	vst v63  }
0xe6: {  	v3 =	vperm.xlane v3, v2  }
0xe7: {  	[tilespmem:s17], [sflag:$0x1] =	stream.indirect_vreg.gather [hbm4b:s5+s3], $0x80, v4, vm0, $0xb8;
	[tilespmem:$0x1C080] =	vst v63  }
0xe8: {  	v3 =	vadd.s32 v1, v3  }
0xe9: {  	[tilespmem:s18], [sflag:$0x1] =	stream.indirect_vreg.gather [hbm4b:s6+s3], $0x80, v4, vm0, $0xb8;
	[tilespmem:$0x1C080] =	vst v63  }
0xea: {  	_ = 	snop  }
0xeb: {  	[tilespmem:s19], [sflag:$0x1] =	stream.indirect_vreg.gather [hbm4b:s7+s3], $0x80, v4, vm0, $0xb8;
	[tilespmem:$0x1C080] =	vst v63  }
0xec: {  	_ = 	snop  }
0xed: {  	[tilespmem:s20], [sflag:$0x1] =	stream.indirect_vreg.gather [hbm4b:s2+s3], $0x80, v3, vm0, $0xb8;
	[tilespmem:$0x1C080] =	vst v63  }
0xee: {  	_ = 	snop  }
0xef: {  	[tilespmem:s21], [sflag:$0x1] =	stream.indirect_vreg.gather [hbm4b:s5+s3], $0x80, v3, vm0, $0xb8;
	[tilespmem:$0x1C080] =	vst v63  }
0xf0: {  	_ = 	snop  }
0xf1: {  	[tilespmem:s22], [sflag:$0x1] =	stream.indirect_vreg.gather [hbm4b:s6+s3], $0x80, v3, vm0, $0xb8;
	[tilespmem:$0x1C080] =	vst v63  }
0xf2: {  	s16 =	simm.s32 $0x2  }
0xf3: {  	[tilespmem:s23], [sflag:$0x1] =	stream.indirect_vreg.gather [hbm4b:s7+s3], $0x80, v3, vm0, $0xb8;
	[tilespmem:$0x1C080] =	vst v63  }
0xf4: {  	_ =	swait.ge [sflag:s16], $0x4000  }
0xf5: {  	[sflag:s16] =	ssyncset.done $0x0  }
0xf6: {  	s15 =	rddreg [dreg:$0x5];
	[sflag:s16] =	ssyncadd.s32 $0xFFFFC000  }
0xf7: {  	[hbm4b:s15+s3] =	stream.linear.scatter [tilespmem:s9], [sflag:$0x9], $0x4000, $0x38;
	[tilespmem:$0x1C080] =	vst v63  }
0xf8: {  	s15 =	simm.s32 $0x3  }
0xf9: {  	_ =	swait.ge [sflag:s15], $0x4000  }
0xfa: {  	[sflag:s15] =	ssyncset.done $0x0  }
0xfb: {  	s16 =	rddreg [dreg:$0x6];
	[sflag:s15] =	ssyncadd.s32 $0xFFFFC000;
	s15 =	simm.s32 $0x4  }
0xfc: {  	[hbm4b:s16+s3] =	stream.linear.scatter [tilespmem:s26], [sflag:$0xA], $0x4000, $0x38;
	[tilespmem:$0x1C080] =	vst v63  }
0xfd: {  	_ =	swait.ge [sflag:s15], $0x4000  }
0xfe: {  	[sflag:s15] =	ssyncset.done $0x0  }
0xff: {  	s16 =	rddreg [dreg:$0x7];
	[sflag:s15] =	ssyncadd.s32 $0xFFFFC000;
	s15 =	simm.s32 $0x5  }
0x100: {  	[hbm4b:s16+s3] =	stream.linear.scatter [tilespmem:s28], [sflag:$0xB], $0x4000, $0x38;
	[tilespmem:$0x1C080] =	vst v63  }
0x101: {  	_ =	swait.ge [sflag:s15], $0x4000  }
0x102: {  	[sflag:s15] =	ssyncset.done $0x0  }
0x103: {  	s16 =	rddreg [dreg:$0x8];
	[sflag:s15] =	ssyncadd.s32 $0xFFFFC000;
	s15 =	simm.s32 $0x6  }
0x104: {  	[hbm4b:s16+s3] =	stream.linear.scatter [tilespmem:s29], [sflag:$0xC], $0x4000, $0x38;
	[tilespmem:$0x1C080] =	vst v63  }
0x105: {  	_ =	swait.ge [sflag:s15], $0x4000  }
0x106: {  	[sflag:s15] =	ssyncset.done $0x0  }
0x107: {  	s16 =	rddreg [dreg:$0x9];
	[sflag:s15] =	ssyncadd.s32 $0xFFFFC000  }
0x108: {  	[hbm4b:s16+s3] =	stream.linear.scatter [tilespmem:s30], [sflag:$0xD], $0x4000, $0x38;
	[tilespmem:$0x1C080] =	vst v63  }
0x109: {  	_ =	swait.ge [sflag:s1], $0x4000  }
0x10a: {  	[sflag:s1] =	ssyncset.done $0x0  }
0x10b: {  	s9 =	rddreg [dreg:$0xa];
	[sflag:s1] =	ssyncadd.s32 $0xFFFFC000  }
0x10c: {  	[hbm4b:s9+s3] =	stream.linear.scatter [tilespmem:s31], [sflag:$0xE], $0x4000, $0x38;
	[tilespmem:$0x1C080] =	vst v63  }
0x10d: {  	_ =	swait.ge [sflag:s24], $0x4000  }
0x10e: {  	[sflag:s24] =	ssyncset.done $0x0  }
0x10f: {  	s16 =	rddreg [dreg:$0xb];
	[sflag:s24] =	ssyncadd.s32 $0xFFFFC000  }
0x110: {  	[hbm4b:s16+s3] =	stream.linear.scatter [tilespmem:s10], [sflag:$0x8], $0x4000, $0x38;
	[tilespmem:$0x1C080] =	vst v63  }
0x111: {  	_ =	swait.ge [sflag:s0], $0x4000  }
0x112: {  	[sflag:s0] =	ssyncset.done $0x0  }
0x113: {  	[sflag:s0] =	ssyncadd.s32 $0xFFFFC000  }
0x114: {  	_ =	swait.ge [sflag:s4], $0x4000  }
0x115: {  	[sflag:s4] =	ssyncset.done $0x0  }
0x116: {  	[sflag:s4] =	ssyncadd.s32 $0xFFFFC000  }
0x117: {  	_ =	swait.ge [sflag:s11], $0x4000  }
0x118: {  	[sflag:s11] =	ssyncset.done $0x0  }
0x119: {  	[sflag:s11] =	ssyncadd.s32 $0xFFFFC000  }
0x11a: {  	_ =	swait.ge [sflag:s12], $0x4000  }
0x11b: {  	[sflag:s12] =	ssyncset.done $0x0  }
0x11c: {  	[sflag:s12] =	ssyncadd.s32 $0xFFFFC000  }
0x11d: {  	_ =	swait.ge [sflag:s13], $0x4000  }
0x11e: {  	[sflag:s13] =	ssyncset.done $0x0  }
0x11f: {  	[sflag:s13] =	ssyncadd.s32 $0xFFFFC000  }
0x120: {  	p0 =	sne.s32 s8, $0x1;
	_ =	swait.ge [sflag:s14], $0x4000  }
.Ltmp0:
0x121: {  	[sflag:s14] =	ssyncset.done $0x0;
	(pc) =	sbr.rel @p0 .LBB2_1-.Ltmp0, $4  }
0x122: {  	[sflag:s14] =	ssyncadd.s32 $0xFFFFC000  }
0x123: {  	_ =	swait.ge [sflag:s25], $0x4000  }
0x124: {  	[sflag:s25] =	ssyncset.done $0x0  }
0x125: {  	s8 =	sadd.s32 $0xFFFFFFFF, s8;
	[sflag:s25] =	ssyncadd.s32 $0xFFFFC000  }
0x126: {  	_ =	sfence.sel $0x180000  }
0x127: {  	[bflag:$0x0] =	sbarrier.arrive $0xFFFF  }
0x128: {  	_ =	strace $0x90000047  }
0x129: {  	s0 =	stileid.u32;
	[bflag:$0x2] =	sbarrier.arrive $0xFFFF  }
0x12a: {  	p0 =	sne.s32 s0, $0x0;
	s0 =	rddreg [dreg:$0x3]  }
0x12b: {  	s0 =	sadd.s32 @!p0 $0x100000, s0  }
0x12c: {  	[sflag:s0] =	ssyncadd.tile.s32 @!p0 $0x1;
	_ =	shalt  }
.Lfunc_end2:
_tile_overlayer_lowered:
.L_overlay_start_2:
0x12d: {  	(tag) =	ssettag $0x2  }
0x12e: {  	s0 =	rddreg [dreg:$0x0];
	s2 =	stileid.u32  }
0x12f: {  	s1 =	rddreg [dreg:$0x1];
	p0 =	sne.s32 s2, $0x0  }
0x130: {  	s3 =	rddreg [dreg:$0x2];
	[bflag:$0x3] =	sbarrier.arrive $0xFFFF;
	s2 =	simm.s32 @!p0 $0x1C0F  }
0x131: {  	[timem:s3], [sflag:s2] =	dma.local @!p0 [hbm:s0], s1  }
0x132: {  	s0 =	simm.s32 @!p0 $0xF  }
0x133: {  	_ =	swait.ge @!p0 [sflag:s0], s1  }
0x134: {  	s1 =	ssub.s32 @!p0 $0x0, s1;
	[sflag:s0] =	ssyncset.done @!p0 $0x0  }
0x135: {  	[sflag:s0] =	ssyncadd.s32 @!p0 s1  }
0x136: {  	[bflag:$0x3] =	sbarrier.arrive $0xFFFF  }
0x137: {  	_ =	shalt  }

</sc_bundles>
